<compile_context>
chip_gen: v7x
topology: tpu7x:2x2x1
jax: 0.10.2.dev20260603
libtpu: 0.0.44.dev20260713+nightly
codegen_flags: <defaults>
</compile_context>

<pallas_src>
import functools

import jax
import jax.numpy as jnp
from jax import lax
from jax.experimental import pallas as pl
from jax.experimental.pallas import tpu as pltpu
from jax.experimental.pallas import tpu_sc as plsc

_N_NODES = 10000
_N_EDGES = 320000
_D_FEAT = 128

_NC = 2
_NS = 16
_NW = _NC * _NS
_L = 16
_QOFF = _N_NODES

_EPT = 10240
_ROWS = _EPT // 128
_LAST = _N_EDGES - (_NW - 1) * _EPT
_NROW = _N_EDGES // 128


def _tc_body(h_ref, w2_ref, b_ref, pq_ref):
    pq = lax.dot_general(
        w2_ref[...], h_ref[...],
        dimension_numbers=(((1,), (1,)), ((), ())),
        preferred_element_type=jnp.float32,
    )
    bias = 0.5 * b_ref[0]
    pq_ref[pl.ds(0, _N_NODES)] = pq[0, :] + bias
    pq_ref[pl.ds(_N_NODES, _N_NODES)] = pq[1, :] + bias


def _make_sc_kernel():
    mesh = plsc.VectorSubcoreMesh(core_axis_name="c", subcore_axis_name="s")

    @functools.partial(
        pl.kernel,
        mesh=mesh,
        out_type=[jax.ShapeDtypeStruct((_NROW, 1, 128), jnp.float32),
                  jax.ShapeDtypeStruct((_NROW, 1, 128), jnp.float32)],
        compiler_params=pltpu.CompilerParams(needs_layout_passes=False),
        scratch_types=[
            pltpu.VMEM((2 * _QOFF,), jnp.float32),
            pltpu.VMEM_SHARED((2 * _QOFF,), jnp.float32),
            pltpu.VMEM((2, _EPT), jnp.int32),
            pltpu.VMEM((_ROWS, 1, 128), jnp.float32),
            pltpu.SemaphoreType.DMA,
        ],
    )
    def sc_k(pq_hbm, ei_hbm, out_hbm, out2_hbm, pq_v, pq_sh, ei_v, o_v, sem):
        sid = lax.axis_index("s")
        wid = sid * _NC + lax.axis_index("c")
        last = wid == _NW - 1
        base = wid * _EPT
        base_ld = jnp.where(last, _N_EDGES - _EPT, base)
        off0 = base - base_ld
        c2 = pltpu.async_copy(ei_hbm.at[:, pl.ds(base_ld, _EPT)], ei_v, sem)
        @pl.when(sid == 0)
        def _():
            pltpu.sync_copy(pq_hbm, pq_sh)
        plsc.subcore_barrier()
        pltpu.sync_copy(pq_sh, pq_v)
        c2.wait()

        def scores(off):
            sidx = ei_v[0, pl.ds(off0 + off, _L)]
            didx = ei_v[1, pl.ds(off0 + off, _L)]
            pv = plsc.load_gather(pq_v, [sidx])
            qv = plsc.load_gather(pq_v, [didx + _QOFF])
            x = pv + qv
            r = lax.shift_right_logical(off, 7)
            c = lax.bitwise_and(off, 127)
            o_v[r, 0, pl.ds(c, _L)] = 1.0 / (1.0 + jnp.exp(-x))

        @pl.when(jnp.logical_not(last))
        def _():
            plsc.parallel_loop(0, _EPT, step=_L, unroll=4)(scores)
            w1 = pltpu.async_copy(
                o_v, out_hbm.at[pl.ds(wid * _ROWS, _ROWS)], sem)
            w2 = pltpu.async_copy(
                o_v, out2_hbm.at[pl.ds(wid * _ROWS, _ROWS)], sem)
            w1.wait()
            w2.wait()

        @pl.when(last)
        def _():
            plsc.parallel_loop(0, _LAST, step=_L, unroll=4)(scores)
            w1 = pltpu.async_copy(
                o_v.at[pl.ds(0, _LAST // 128)],
                out_hbm.at[pl.ds(_NROW - _LAST // 128, _LAST // 128)], sem)
            w2 = pltpu.async_copy(
                o_v.at[pl.ds(0, _LAST // 128)],
                out2_hbm.at[pl.ds(_NROW - _LAST // 128, _LAST // 128)], sem)
            w1.wait()
            w2.wait()

    return sc_k


_sc_kernel = _make_sc_kernel()


def kernel(h, edge_index, W, b):
    w2 = W.reshape(2, _D_FEAT)
    ei = edge_index.astype(jnp.int32)
    pq = pl.pallas_call(
        _tc_body,
        out_shape=jax.ShapeDtypeStruct((2 * _N_NODES,), jnp.float32),
        in_specs=[
            pl.BlockSpec(memory_space=pltpu.VMEM),
            pl.BlockSpec(memory_space=pltpu.VMEM),
            pl.BlockSpec(memory_space=pltpu.SMEM),
        ],
        out_specs=pl.BlockSpec(memory_space=pltpu.VMEM),
    )(h, w2, b)
    s1, s2 = _sc_kernel(pq, ei)
    return (s1.reshape(_N_EDGES, 1), s2.reshape(_N_EDGES, 1))

# --- scband reference (transcript-rebuilt; emitter-appended) ---
"""Pipeline reference for scband-mlppredictor-35682588295604 (READ-ONLY COPY).

The authoritative reference and input builder live on the scoring server;
editing this copy changes nothing except your own understanding.
"""

import jax, jax.numpy as jnp
import numpy as np

N_NODES = 10000
N_EDGES = 320000
D_FEAT = 128


def setup_inputs(seed: int = 0) -> dict:
    key = jax.random.key(seed)
    k1, k2, k3 = jax.random.split(key, 3)
    h = jax.random.normal(k1, (N_NODES, D_FEAT), dtype=jnp.float32)
    edge_index = jax.random.randint(k2, (2, N_EDGES), 0, N_NODES, dtype=jnp.int64)
    # nn.Linear(in_features*2, 1) with xavier_uniform init
    fan_in = D_FEAT * 2
    fan_out = 1
    limit = float(np.sqrt(6.0 / (fan_in + fan_out)))
    W = jax.random.uniform(k3, (1, D_FEAT * 2), dtype=jnp.float32, minval=-limit, maxval=limit)
    b = jnp.zeros((1,), dtype=jnp.float32)
    return {"h": h, "edge_index": edge_index, "W": W, "b": b}


def reference(h, edge_index, W, b):
    # Single canonical etype: gather src/dst node features for every edge,
    # concat, apply Linear(2*d -> 1), sigmoid.
    src = edge_index[0]
    dst = edge_index[1]
    h_u = jnp.take(h, src, axis=0)
    h_v = jnp.take(h, dst, axis=0)
    cat = jnp.concatenate([h_u, h_v], axis=1)
    score = cat @ W.T + b
    out = jax.nn.sigmoid(score)
    # scores dict collapses to the single etype's score tensor; s_l is the
    # concatenation over etypes (here just one), not reshaped since
    # args.only_drug_disease == 'False'.
    s_l = out
    return (out, s_l)

if __name__ == "__main__":
    import jax
    _d = setup_inputs()
    print(jax.jit(kernel)(*tuple(_d.values())))

</pallas_src>

<mosaic_0001>
#map = affine_map<(d0, d1) -> (0)>
#map1 = affine_map<(d0, d1) -> (0, 0)>
#map2 = affine_map<(d0, d1) -> (0, 0, 0)>
module attributes {stable_mosaic.version = 14 : i64} {
  func.func @sc_k(%arg0: i32, %arg1: i32, %arg2: memref<20000xf32, #tpu.memory_space<hbm>>, %arg3: memref<2x320000xi32, #tpu.memory_space<hbm>>, %arg4: memref<2500x1x128xf32, #tpu.memory_space<hbm>>, %arg5: memref<2500x1x128xf32, #tpu.memory_space<hbm>>, %arg6: memref<20000xf32, #tpu.memory_space<vmem>>, %arg7: memref<20000xf32, #tpu.memory_space<vmem_shared>>, %arg8: memref<2x10240xi32, #tpu.memory_space<vmem>>, %arg9: memref<80x1x128xf32, #tpu.memory_space<vmem>>, %arg10: memref<!tpu.dma_semaphore, #tpu.memory_space<semaphore_mem>>) attributes {dimension_semantics = [#tpu.dimension_semantics<core_parallel>, #tpu.dimension_semantics<subcore_parallel>], iteration_bounds = array<i64: 2, 16>, scalar_prefetch = 0 : i64, scratch_operands = 5 : i64, tpu.core_type = #tpu.core_type<sc_vector_subcore>, window_params = [{transform_indices = #map}, {transform_indices = #map1}, {transform_indices = #map2}, {transform_indices = #map2}]} {
    %mul3A = arith.constant 2 : i32
    %mul3A_0 = arith.muli %arg1, %mul3A : i32
    %add3A = arith.addi %mul3A_0, %arg0 : i32
    %eq3A = arith.constant 31 : i32
    %eq3A_1 = arith.cmpi eq, %add3A, %eq3A : i32
    %mul3A_2 = arith.constant 10240 : i32
    %mul3A_3 = arith.muli %add3A, %mul3A_2 : i32
    %jit3A = arith.constant 309760 : i32
    %select_n3A = arith.select %eq3A_1, %jit3A, %mul3A_3 : i32
    %sub3A = arith.subi %mul3A_3, %select_n3A : i32
    %dma_start3A = arith.constant 0 : i32
    %dma_start3A_4 = tpu.memref_slice %arg3[%dma_start3A, %select_n3A] : memref<2x320000xi32, #tpu.memory_space<hbm>> -> memref<2x10240xi32, #tpu.memory_space<hbm>>
    %dma_start3A_5 = arith.constant 0 : i32
    %dma_start3A_6 = tpu.memref_slice %arg3[%dma_start3A_5, %select_n3A] : memref<2x320000xi32, #tpu.memory_space<hbm>> -> memref<2x10240xi32, #tpu.memory_space<hbm>>
    tpu.enqueue_dma source(%dma_start3A_6 : memref<2x10240xi32, #tpu.memory_space<hbm>>) target(%arg8 : memref<2x10240xi32, #tpu.memory_space<vmem>>) target_semaphore(%arg10 : memref<!tpu.dma_semaphore, #tpu.memory_space<semaphore_mem>>)
    %eq3A_7 = arith.constant 0 : i32
    %eq3A_8 = arith.cmpi eq, %arg1, %eq3A_7 : i32
    %convert_element_type3A = arith.extui %eq3A_8 : i1 to i32
    %cond3A = arith.constant 0 : i32
    %cond3A_9 = arith.cmpi ne, %convert_element_type3A, %cond3A : i32
    scf.if %cond3A_9 {
      "tpu.region"() ({
        %run_scoped3A = tpu.sem_alloc : memref<!tpu.dma_semaphore, #tpu.memory_space<semaphore_mem>>
        tpu.enqueue_dma source(%arg2 : memref<20000xf32, #tpu.memory_space<hbm>>) target(%arg7 : memref<20000xf32, #tpu.memory_space<vmem_shared>>) target_semaphore(%run_scoped3A : memref<!tpu.dma_semaphore, #tpu.memory_space<semaphore_mem>>)
        tpu.wait_dma2 semaphore(%run_scoped3A : memref<!tpu.dma_semaphore, #tpu.memory_space<semaphore_mem>>) src(%arg2 : memref<20000xf32, #tpu.memory_space<hbm>>) dst(%arg7 : memref<20000xf32, #tpu.memory_space<vmem_shared>>)
        tpu.yield
      }) : () -> ()
    } else {
    }
    %barrier3A = arith.constant 0 : index
    tpu.barrier barrier_id(%barrier3A)
    "tpu.region"() ({
      %run_scoped3A = tpu.sem_alloc : memref<!tpu.dma_semaphore, #tpu.memory_space<semaphore_mem>>
      tpu.enqueue_dma source(%arg7 : memref<20000xf32, #tpu.memory_space<vmem_shared>>) target(%arg6 : memref<20000xf32, #tpu.memory_space<vmem>>) target_semaphore(%run_scoped3A : memref<!tpu.dma_semaphore, #tpu.memory_space<semaphore_mem>>)
      tpu.wait_dma2 semaphore(%run_scoped3A : memref<!tpu.dma_semaphore, #tpu.memory_space<semaphore_mem>>) src(%arg7 : memref<20000xf32, #tpu.memory_space<vmem_shared>>) dst(%arg6 : memref<20000xf32, #tpu.memory_space<vmem>>)
      tpu.yield
    }) : () -> ()
    %dma_wait3A = arith.constant 0 : i32
    %dma_wait3A_10 = tpu.memref_slice %arg3[%dma_wait3A, %select_n3A] : memref<2x320000xi32, #tpu.memory_space<hbm>> -> memref<2x10240xi32, #tpu.memory_space<hbm>>
    %dma_wait3A_11 = arith.constant 0 : i32
    %dma_wait3A_12 = tpu.memref_slice %arg3[%dma_wait3A_11, %select_n3A] : memref<2x320000xi32, #tpu.memory_space<hbm>> -> memref<2x10240xi32, #tpu.memory_space<hbm>>
    tpu.wait_dma2 semaphore(%arg10 : memref<!tpu.dma_semaphore, #tpu.memory_space<semaphore_mem>>) src(%dma_wait3A_12 : memref<2x10240xi32, #tpu.memory_space<hbm>>) dst(%arg8 : memref<2x10240xi32, #tpu.memory_space<vmem>>)
    %not3A = arith.constant true
    %not3A_13 = arith.xori %eq3A_1, %not3A : i1
    %convert_element_type3A_14 = arith.extui %not3A_13 : i1 to i32
    %cond3A_15 = arith.constant 0 : i32
    %cond3A_16 = arith.cmpi ne, %convert_element_type3A_14, %cond3A_15 : i32
    scf.if %cond3A_16 {
      %parallel_loop3A = arith.constant 0 : i32
      %parallel_loop3A_20 = arith.constant 10240 : i32
      %parallel_loop3A_21 = arith.constant 16 : i32
      scf.for %parallel_loop3A_50 = %parallel_loop3A to %parallel_loop3A_20 step %parallel_loop3A_21  : i32 {
        %parallel_loop3A_51 = arith.addi %sub3A, %parallel_loop3A_50 : i32
        %parallel_loop3A_52 = arith.constant 0 : i32
        %parallel_loop3A_53 = arith.index_cast %parallel_loop3A_52 : i32 to index
        %parallel_loop3A_54 = arith.index_cast %parallel_loop3A_51 : i32 to index
        %parallel_loop3A_55 = tpu.vector_load %arg8[%parallel_loop3A_53, %parallel_loop3A_54] {strides = array<i32>} : memref<2x10240xi32, #tpu.memory_space<vmem>>, vector<16xi32>,
        %parallel_loop3A_56 = arith.addi %sub3A, %parallel_loop3A_50 : i32
        %parallel_loop3A_57 = arith.constant 1 : i32
        %parallel_loop3A_58 = arith.index_cast %parallel_loop3A_57 : i32 to index
        %parallel_loop3A_59 = arith.index_cast %parallel_loop3A_56 : i32 to index
        %parallel_loop3A_60 = tpu.vector_load %arg8[%parallel_loop3A_58, %parallel_loop3A_59] {strides = array<i32>} : memref<2x10240xi32, #tpu.memory_space<vmem>>, vector<16xi32>,
        %parallel_loop3A_61 = tpu.vector_load_idx %arg6[%parallel_loop3A_55] : memref<20000xf32, #tpu.memory_space<vmem>>[vector<16xi32>], vector<16xf32>,
        %parallel_loop3A_62 = arith.constant 10000 : i32
        %parallel_loop3A_63 = vector.broadcast %parallel_loop3A_62 : i32 to vector<16xi32>
        %parallel_loop3A_64 = arith.addi %parallel_loop3A_60, %parallel_loop3A_63 : vector<16xi32>
        %parallel_loop3A_65 = tpu.vector_load_idx %arg6[%parallel_loop3A_64] : memref<20000xf32, #tpu.memory_space<vmem>>[vector<16xi32>], vector<16xf32>,
        %parallel_loop3A_66 = arith.addf %parallel_loop3A_61, %parallel_loop3A_65 : vector<16xf32>
        %parallel_loop3A_67 = arith.constant 7 : i32
        %parallel_loop3A_68 = arith.shrui %parallel_loop3A_50, %parallel_loop3A_67 : i32
        %parallel_loop3A_69 = arith.constant 127 : i32
        %parallel_loop3A_70 = arith.andi %parallel_loop3A_50, %parallel_loop3A_69 : i32
        %parallel_loop3A_71 = arith.constant 0.000000e+00 : f32
        %parallel_loop3A_72 = vector.broadcast %parallel_loop3A_71 : f32 to vector<16xf32>
        %parallel_loop3A_73 = arith.subf %parallel_loop3A_72, %parallel_loop3A_66 : vector<16xf32>
        %parallel_loop3A_74 = math.exp %parallel_loop3A_73 : vector<16xf32>
        %parallel_loop3A_75 = arith.constant 1.000000e+00 : f32
        %parallel_loop3A_76 = vector.broadcast %parallel_loop3A_75 : f32 to vector<16xf32>
        %parallel_loop3A_77 = arith.addf %parallel_loop3A_76, %parallel_loop3A_74 : vector<16xf32>
        %parallel_loop3A_78 = arith.constant 1.000000e+00 : f32
        %parallel_loop3A_79 = vector.broadcast %parallel_loop3A_78 : f32 to vector<16xf32>
        %parallel_loop3A_80 = arith.divf %parallel_loop3A_79, %parallel_loop3A_77 : vector<16xf32>
        %parallel_loop3A_81 = arith.constant 0 : i32
        %parallel_loop3A_82 = arith.index_cast %parallel_loop3A_68 : i32 to index
        %parallel_loop3A_83 = arith.index_cast %parallel_loop3A_81 : i32 to index
        %parallel_loop3A_84 = arith.index_cast %parallel_loop3A_70 : i32 to index
        %parallel_loop3A_85 = tpu.vector_load %arg9[%parallel_loop3A_82, %parallel_loop3A_83, %parallel_loop3A_84] {strides = array<i32>} : memref<80x1x128xf32, #tpu.memory_space<vmem>>, vector<16xf32>,
        tpu.vector_store %arg9[%parallel_loop3A_82, %parallel_loop3A_83, %parallel_loop3A_84], %parallel_loop3A_80 {strides = array<i32>} : memref<80x1x128xf32, #tpu.memory_space<vmem>>, vector<16xf32>,
      } {sc.loop_unroll_factor = 4 : i64, sc.parallel_access}
      %mul3A_22 = arith.constant 80 : i32
      %mul3A_23 = arith.muli %add3A, %mul3A_22 : i32
      %dma_start3A_24 = arith.constant 0 : i32
      %dma_start3A_25 = arith.constant 0 : i32
      %dma_start3A_26 = tpu.memref_slice %arg4[%mul3A_23, %dma_start3A_24, %dma_start3A_25] : memref<2500x1x128xf32, #tpu.memory_space<hbm>> -> memref<80x1x128xf32, #tpu.memory_space<hbm>>
      %dma_start3A_27 = arith.constant 0 : i32
      %dma_start3A_28 = arith.constant 0 : i32
      %dma_start3A_29 = tpu.memref_slice %arg4[%mul3A_23, %dma_start3A_27, %dma_start3A_28] : memref<2500x1x128xf32, #tpu.memory_space<hbm>> -> memref<80x1x128xf32, #tpu.memory_space<hbm>>
      tpu.enqueue_dma source(%arg9 : memref<80x1x128xf32, #tpu.memory_space<vmem>>) target(%dma_start3A_29 : memref<80x1x128xf32, #tpu.memory_space<hbm>>) target_semaphore(%arg10 : memref<!tpu.dma_semaphore, #tpu.memory_space<semaphore_mem>>)
      %mul3A_30 = arith.constant 80 : i32
      %mul3A_31 = arith.muli %add3A, %mul3A_30 : i32
      %dma_start3A_32 = arith.constant 0 : i32
      %dma_start3A_33 = arith.constant 0 : i32
      %dma_start3A_34 = tpu.memref_slice %arg5[%mul3A_31, %dma_start3A_32, %dma_start3A_33] : memref<2500x1x128xf32, #tpu.memory_space<hbm>> -> memref<80x1x128xf32, #tpu.memory_space<hbm>>
      %dma_start3A_35 = arith.constant 0 : i32
      %dma_start3A_36 = arith.constant 0 : i32
      %dma_start3A_37 = tpu.memref_slice %arg5[%mul3A_31, %dma_start3A_35, %dma_start3A_36] : memref<2500x1x128xf32, #tpu.memory_space<hbm>> -> memref<80x1x128xf32, #tpu.memory_space<hbm>>
      tpu.enqueue_dma source(%arg9 : memref<80x1x128xf32, #tpu.memory_space<vmem>>) target(%dma_start3A_37 : memref<80x1x128xf32, #tpu.memory_space<hbm>>) target_semaphore(%arg10 : memref<!tpu.dma_semaphore, #tpu.memory_space<semaphore_mem>>)
      %dma_wait3A_38 = arith.constant 0 : i32
      %dma_wait3A_39 = arith.constant 0 : i32
      %dma_wait3A_40 = tpu.memref_slice %arg4[%mul3A_23, %dma_wait3A_38, %dma_wait3A_39] : memref<2500x1x128xf32, #tpu.memory_space<hbm>> -> memref<80x1x128xf32, #tpu.memory_space<hbm>>
      %dma_wait3A_41 = arith.constant 0 : i32
      %dma_wait3A_42 = arith.constant 0 : i32
      %dma_wait3A_43 = tpu.memref_slice %arg4[%mul3A_23, %dma_wait3A_41, %dma_wait3A_42] : memref<2500x1x128xf32, #tpu.memory_space<hbm>> -> memref<80x1x128xf32, #tpu.memory_space<hbm>>
      tpu.wait_dma2 semaphore(%arg10 : memref<!tpu.dma_semaphore, #tpu.memory_space<semaphore_mem>>) src(%arg9 : memref<80x1x128xf32, #tpu.memory_space<vmem>>) dst(%dma_wait3A_43 : memref<80x1x128xf32, #tpu.memory_space<hbm>>)
      %dma_wait3A_44 = arith.constant 0 : i32
      %dma_wait3A_45 = arith.constant 0 : i32
      %dma_wait3A_46 = tpu.memref_slice %arg5[%mul3A_31, %dma_wait3A_44, %dma_wait3A_45] : memref<2500x1x128xf32, #tpu.memory_space<hbm>> -> memref<80x1x128xf32, #tpu.memory_space<hbm>>
      %dma_wait3A_47 = arith.constant 0 : i32
      %dma_wait3A_48 = arith.constant 0 : i32
      %dma_wait3A_49 = tpu.memref_slice %arg5[%mul3A_31, %dma_wait3A_47, %dma_wait3A_48] : memref<2500x1x128xf32, #tpu.memory_space<hbm>> -> memref<80x1x128xf32, #tpu.memory_space<hbm>>
      tpu.wait_dma2 semaphore(%arg10 : memref<!tpu.dma_semaphore, #tpu.memory_space<semaphore_mem>>) src(%arg9 : memref<80x1x128xf32, #tpu.memory_space<vmem>>) dst(%dma_wait3A_49 : memref<80x1x128xf32, #tpu.memory_space<hbm>>)
    } else {
    }
    %convert_element_type3A_17 = arith.extui %eq3A_1 : i1 to i32
    %cond3A_18 = arith.constant 0 : i32
    %cond3A_19 = arith.cmpi ne, %convert_element_type3A_17, %cond3A_18 : i32
    scf.if %cond3A_19 {
      %parallel_loop3A = arith.constant 0 : i32
      %parallel_loop3A_20 = arith.constant 2560 : i32
      %parallel_loop3A_21 = arith.constant 16 : i32
      scf.for %parallel_loop3A_86 = %parallel_loop3A to %parallel_loop3A_20 step %parallel_loop3A_21  : i32 {
        %parallel_loop3A_87 = arith.addi %sub3A, %parallel_loop3A_86 : i32
        %parallel_loop3A_88 = arith.constant 0 : i32
        %parallel_loop3A_89 = arith.index_cast %parallel_loop3A_88 : i32 to index
        %parallel_loop3A_90 = arith.index_cast %parallel_loop3A_87 : i32 to index
        %parallel_loop3A_91 = tpu.vector_load %arg8[%parallel_loop3A_89, %parallel_loop3A_90] {strides = array<i32>} : memref<2x10240xi32, #tpu.memory_space<vmem>>, vector<16xi32>,
        %parallel_loop3A_92 = arith.addi %sub3A, %parallel_loop3A_86 : i32
        %parallel_loop3A_93 = arith.constant 1 : i32
        %parallel_loop3A_94 = arith.index_cast %parallel_loop3A_93 : i32 to index
        %parallel_loop3A_95 = arith.index_cast %parallel_loop3A_92 : i32 to index
        %parallel_loop3A_96 = tpu.vector_load %arg8[%parallel_loop3A_94, %parallel_loop3A_95] {strides = array<i32>} : memref<2x10240xi32, #tpu.memory_space<vmem>>, vector<16xi32>,
        %parallel_loop3A_97 = tpu.vector_load_idx %arg6[%parallel_loop3A_91] : memref<20000xf32, #tpu.memory_space<vmem>>[vector<16xi32>], vector<16xf32>,
        %parallel_loop3A_98 = arith.constant 10000 : i32
        %parallel_loop3A_99 = vector.broadcast %parallel_loop3A_98 : i32 to vector<16xi32>
        %parallel_loop3A_100 = arith.addi %parallel_loop3A_96, %parallel_loop3A_99 : vector<16xi32>
        %parallel_loop3A_101 = tpu.vector_load_idx %arg6[%parallel_loop3A_100] : memref<20000xf32, #tpu.memory_space<vmem>>[vector<16xi32>], vector<16xf32>,
        %parallel_loop3A_102 = arith.addf %parallel_loop3A_97, %parallel_loop3A_101 : vector<16xf32>
        %parallel_loop3A_103 = arith.constant 7 : i32
        %parallel_loop3A_104 = arith.shrui %parallel_loop3A_86, %parallel_loop3A_103 : i32
        %parallel_loop3A_105 = arith.constant 127 : i32
        %parallel_loop3A_106 = arith.andi %parallel_loop3A_86, %parallel_loop3A_105 : i32
        %parallel_loop3A_107 = arith.constant 0.000000e+00 : f32
        %parallel_loop3A_108 = vector.broadcast %parallel_loop3A_107 : f32 to vector<16xf32>
        %parallel_loop3A_109 = arith.subf %parallel_loop3A_108, %parallel_loop3A_102 : vector<16xf32>
        %parallel_loop3A_110 = math.exp %parallel_loop3A_109 : vector<16xf32>
        %parallel_loop3A_111 = arith.constant 1.000000e+00 : f32
        %parallel_loop3A_112 = vector.broadcast %parallel_loop3A_111 : f32 to vector<16xf32>
        %parallel_loop3A_113 = arith.addf %parallel_loop3A_112, %parallel_loop3A_110 : vector<16xf32>
        %parallel_loop3A_114 = arith.constant 1.000000e+00 : f32
        %parallel_loop3A_115 = vector.broadcast %parallel_loop3A_114 : f32 to vector<16xf32>
        %parallel_loop3A_116 = arith.divf %parallel_loop3A_115, %parallel_loop3A_113 : vector<16xf32>
        %parallel_loop3A_117 = arith.constant 0 : i32
        %parallel_loop3A_118 = arith.index_cast %parallel_loop3A_104 : i32 to index
        %parallel_loop3A_119 = arith.index_cast %parallel_loop3A_117 : i32 to index
        %parallel_loop3A_120 = arith.index_cast %parallel_loop3A_106 : i32 to index
        %parallel_loop3A_121 = tpu.vector_load %arg9[%parallel_loop3A_118, %parallel_loop3A_119, %parallel_loop3A_120] {strides = array<i32>} : memref<80x1x128xf32, #tpu.memory_space<vmem>>, vector<16xf32>,
        tpu.vector_store %arg9[%parallel_loop3A_118, %parallel_loop3A_119, %parallel_loop3A_120], %parallel_loop3A_116 {strides = array<i32>} : memref<80x1x128xf32, #tpu.memory_space<vmem>>, vector<16xf32>,
      } {sc.loop_unroll_factor = 4 : i64, sc.parallel_access}
      %dma_start3A_22 = arith.constant 0 : i32
      %dma_start3A_23 = arith.constant 0 : i32
      %dma_start3A_24 = arith.constant 0 : i32
      %dma_start3A_25 = tpu.memref_slice %arg9[%dma_start3A_22, %dma_start3A_23, %dma_start3A_24] : memref<80x1x128xf32, #tpu.memory_space<vmem>> -> memref<20x1x128xf32, #tpu.memory_space<vmem>>
      %dma_start3A_26 = arith.constant 2480 : i32
      %dma_start3A_27 = arith.constant 0 : i32
      %dma_start3A_28 = arith.constant 0 : i32
      %dma_start3A_29 = tpu.memref_slice %arg4[%dma_start3A_26, %dma_start3A_27, %dma_start3A_28] : memref<2500x1x128xf32, #tpu.memory_space<hbm>> -> memref<20x1x128xf32, #tpu.memory_space<hbm>>
      %dma_start3A_30 = arith.constant 2480 : i32
      %dma_start3A_31 = arith.constant 0 : i32
      %dma_start3A_32 = arith.constant 0 : i32
      %dma_start3A_33 = tpu.memref_slice %arg4[%dma_start3A_30, %dma_start3A_31, %dma_start3A_32] : memref<2500x1x128xf32, #tpu.memory_space<hbm>> -> memref<20x1x128xf32, #tpu.memory_space<hbm>>
      %dma_start3A_34 = arith.constant 0 : i32
      %dma_start3A_35 = arith.constant 0 : i32
      %dma_start3A_36 = arith.constant 0 : i32
      %dma_start3A_37 = tpu.memref_slice %arg9[%dma_start3A_34, %dma_start3A_35, %dma_start3A_36] : memref<80x1x128xf32, #tpu.memory_space<vmem>> -> memref<20x1x128xf32, #tpu.memory_space<vmem>>
      tpu.enqueue_dma source(%dma_start3A_37 : memref<20x1x128xf32, #tpu.memory_space<vmem>>) target(%dma_start3A_33 : memref<20x1x128xf32, #tpu.memory_space<hbm>>) target_semaphore(%arg10 : memref<!tpu.dma_semaphore, #tpu.memory_space<semaphore_mem>>)
      %dma_start3A_38 = arith.constant 0 : i32
      %dma_start3A_39 = arith.constant 0 : i32
      %dma_start3A_40 = arith.constant 0 : i32
      %dma_start3A_41 = tpu.memref_slice %arg9[%dma_start3A_38, %dma_start3A_39, %dma_start3A_40] : memref<80x1x128xf32, #tpu.memory_space<vmem>> -> memref<20x1x128xf32, #tpu.memory_space<vmem>>
      %dma_start3A_42 = arith.constant 2480 : i32
      %dma_start3A_43 = arith.constant 0 : i32
      %dma_start3A_44 = arith.constant 0 : i32
      %dma_start3A_45 = tpu.memref_slice %arg5[%dma_start3A_42, %dma_start3A_43, %dma_start3A_44] : memref<2500x1x128xf32, #tpu.memory_space<hbm>> -> memref<20x1x128xf32, #tpu.memory_space<hbm>>
      %dma_start3A_46 = arith.constant 2480 : i32
      %dma_start3A_47 = arith.constant 0 : i32
      %dma_start3A_48 = arith.constant 0 : i32
      %dma_start3A_49 = tpu.memref_slice %arg5[%dma_start3A_46, %dma_start3A_47, %dma_start3A_48] : memref<2500x1x128xf32, #tpu.memory_space<hbm>> -> memref<20x1x128xf32, #tpu.memory_space<hbm>>
      %dma_start3A_50 = arith.constant 0 : i32
      %dma_start3A_51 = arith.constant 0 : i32
      %dma_start3A_52 = arith.constant 0 : i32
      %dma_start3A_53 = tpu.memref_slice %arg9[%dma_start3A_50, %dma_start3A_51, %dma_start3A_52] : memref<80x1x128xf32, #tpu.memory_space<vmem>> -> memref<20x1x128xf32, #tpu.memory_space<vmem>>
      tpu.enqueue_dma source(%dma_start3A_53 : memref<20x1x128xf32, #tpu.memory_space<vmem>>) target(%dma_start3A_49 : memref<20x1x128xf32, #tpu.memory_space<hbm>>) target_semaphore(%arg10 : memref<!tpu.dma_semaphore, #tpu.memory_space<semaphore_mem>>)
      %dma_wait3A_54 = arith.constant 0 : i32
      %dma_wait3A_55 = arith.constant 0 : i32
      %dma_wait3A_56 = arith.constant 0 : i32
      %dma_wait3A_57 = tpu.memref_slice %arg9[%dma_wait3A_54, %dma_wait3A_55, %dma_wait3A_56] : memref<80x1x128xf32, #tpu.memory_space<vmem>> -> memref<20x1x128xf32, #tpu.memory_space<vmem>>
      %dma_wait3A_58 = arith.constant 2480 : i32
      %dma_wait3A_59 = arith.constant 0 : i32
      %dma_wait3A_60 = arith.constant 0 : i32
      %dma_wait3A_61 = tpu.memref_slice %arg4[%dma_wait3A_58, %dma_wait3A_59, %dma_wait3A_60] : memref<2500x1x128xf32, #tpu.memory_space<hbm>> -> memref<20x1x128xf32, #tpu.memory_space<hbm>>
      %dma_wait3A_62 = arith.constant 2480 : i32
      %dma_wait3A_63 = arith.constant 0 : i32
      %dma_wait3A_64 = arith.constant 0 : i32
      %dma_wait3A_65 = tpu.memref_slice %arg4[%dma_wait3A_62, %dma_wait3A_63, %dma_wait3A_64] : memref<2500x1x128xf32, #tpu.memory_space<hbm>> -> memref<20x1x128xf32, #tpu.memory_space<hbm>>
      %dma_wait3A_66 = arith.constant 0 : i32
      %dma_wait3A_67 = arith.constant 0 : i32
      %dma_wait3A_68 = arith.constant 0 : i32
      %dma_wait3A_69 = tpu.memref_slice %arg9[%dma_wait3A_66, %dma_wait3A_67, %dma_wait3A_68] : memref<80x1x128xf32, #tpu.memory_space<vmem>> -> memref<20x1x128xf32, #tpu.memory_space<vmem>>
      tpu.wait_dma2 semaphore(%arg10 : memref<!tpu.dma_semaphore, #tpu.memory_space<semaphore_mem>>) src(%dma_wait3A_69 : memref<20x1x128xf32, #tpu.memory_space<vmem>>) dst(%dma_wait3A_65 : memref<20x1x128xf32, #tpu.memory_space<hbm>>)
      %dma_wait3A_70 = arith.constant 0 : i32
      %dma_wait3A_71 = arith.constant 0 : i32
      %dma_wait3A_72 = arith.constant 0 : i32
      %dma_wait3A_73 = tpu.memref_slice %arg9[%dma_wait3A_70, %dma_wait3A_71, %dma_wait3A_72] : memref<80x1x128xf32, #tpu.memory_space<vmem>> -> memref<20x1x128xf32, #tpu.memory_space<vmem>>
      %dma_wait3A_74 = arith.constant 2480 : i32
      %dma_wait3A_75 = arith.constant 0 : i32
      %dma_wait3A_76 = arith.constant 0 : i32
      %dma_wait3A_77 = tpu.memref_slice %arg5[%dma_wait3A_74, %dma_wait3A_75, %dma_wait3A_76] : memref<2500x1x128xf32, #tpu.memory_space<hbm>> -> memref<20x1x128xf32, #tpu.memory_space<hbm>>
      %dma_wait3A_78 = arith.constant 2480 : i32
      %dma_wait3A_79 = arith.constant 0 : i32
      %dma_wait3A_80 = arith.constant 0 : i32
      %dma_wait3A_81 = tpu.memref_slice %arg5[%dma_wait3A_78, %dma_wait3A_79, %dma_wait3A_80] : memref<2500x1x128xf32, #tpu.memory_space<hbm>> -> memref<20x1x128xf32, #tpu.memory_space<hbm>>
      %dma_wait3A_82 = arith.constant 0 : i32
      %dma_wait3A_83 = arith.constant 0 : i32
      %dma_wait3A_84 = arith.constant 0 : i32
      %dma_wait3A_85 = tpu.memref_slice %arg9[%dma_wait3A_82, %dma_wait3A_83, %dma_wait3A_84] : memref<80x1x128xf32, #tpu.memory_space<vmem>> -> memref<20x1x128xf32, #tpu.memory_space<vmem>>
      tpu.wait_dma2 semaphore(%arg10 : memref<!tpu.dma_semaphore, #tpu.memory_space<semaphore_mem>>) src(%dma_wait3A_85 : memref<20x1x128xf32, #tpu.memory_space<vmem>>) dst(%dma_wait3A_81 : memref<20x1x128xf32, #tpu.memory_space<hbm>>)
    } else {
    }
    return
  }
}

module attributes {stable_mosaic.version = 14 : i64} {
  func.func @_tc_body(%arg0: memref<10000x128xf32, #tpu.memory_space<vmem>>, %arg1: memref<2x128xf32, #tpu.memory_space<vmem>>, %arg2: memref<1xf32, #tpu.memory_space<smem>>, %arg3: memref<20000xf32, #tpu.memory_space<vmem>>) attributes {dimension_semantics = [], scalar_prefetch = 0 : i64, scratch_operands = 0 : i64, tpu.core_type = #tpu.core_type<tc>} {
    %get3A = arith.constant 0 : index
    %get3A_0 = arith.constant 0 : index
    %get3A_1 = vector.load %arg1[%get3A, %get3A_0] : memref<2x128xf32, #tpu.memory_space<vmem>>, vector<2x128xf32>
    %get3A_2 = arith.constant 0 : index
    %get3A_3 = arith.constant 0 : index
    %get3A_4 = vector.load %arg0[%get3A_2, %get3A_3] : memref<10000x128xf32, #tpu.memory_space<vmem>>, vector<10000x128xf32>
    %dot_general3A = arith.constant dense<0.000000e+00> : vector<2x10000xf32>
    %dot_general3A_5 = tpu.matmul %get3A_1, %get3A_4, %dot_general3A {dimension_numbers = #tpu.dot_dimension_numbers<[1], [1], [0], [0], [0, 0, 1, 0], [], []>, transpose_lhs_hint = false} : vector<2x128xf32>, vector<10000x128xf32>, vector<2x10000xf32> -> vector<2x10000xf32>
    %get3A_6 = arith.constant 0 : index
    %get3A_7 = memref.load %arg2[%get3A_6] : memref<1xf32, #tpu.memory_space<smem>>
    %mul3A = arith.constant 5.000000e-01 : f32
    %mul3A_8 = arith.mulf %mul3A, %get3A_7 : f32
    %slice3A = vector.extract_strided_slice %dot_general3A_5 {offsets = [0, 0], sizes = [1, 10000], strides = [1, 1]} : vector<2x10000xf32> to vector<1x10000xf32>
    %squeeze3A = vector.shape_cast %slice3A : vector<1x10000xf32> to vector<10000xf32>
    %add3A = vector.broadcast %mul3A_8 : f32 to vector<10000xf32>
    %add3A_9 = arith.addf %squeeze3A, %add3A : vector<10000xf32>
    %swap3A = arith.constant 0 : index
    %swap3A_10 = vector.load %arg3[%swap3A] : memref<20000xf32, #tpu.memory_space<vmem>>, vector<10000xf32>
    tpu.vector_store %arg3[%swap3A], %add3A_9 {strides = array<i32>} : memref<20000xf32, #tpu.memory_space<vmem>>, vector<10000xf32>,
    %slice3A_11 = vector.extract_strided_slice %dot_general3A_5 {offsets = [1, 0], sizes = [1, 10000], strides = [1, 1]} : vector<2x10000xf32> to vector<1x10000xf32>
    %squeeze3A_12 = vector.shape_cast %slice3A_11 : vector<1x10000xf32> to vector<10000xf32>
    %add3A_13 = vector.broadcast %mul3A_8 : f32 to vector<10000xf32>
    %add3A_14 = arith.addf %squeeze3A_12, %add3A_13 : vector<10000xf32>
    %swap3A_15 = arith.constant 10000 : index
    %swap3A_16 = vector.load %arg3[%swap3A_15] : memref<20000xf32, #tpu.memory_space<vmem>>, vector<10000xf32>
    tpu.vector_store %arg3[%swap3A_15], %add3A_14 {strides = array<i32>} : memref<20000xf32, #tpu.memory_space<vmem>>, vector<10000xf32>,
    return
  }
}

</mosaic_0001>

<sc_bundles>
// kernel: kernel.4.cloned.1.call-start
scs
__scs_entry_jumppad:
0x0: {  	(pc) =	sbr.rel $0x88, $3  }
0x1: {  	(tag) =	ssettag $0x0;
	lr =	simm.s32 $0x1  }
0x2: {  	[smem:$0x3F9D] =	sst lr;
	_ =	strace $0xD0000000  }
0x3: {  	_ = 	snop  }
0x4: {  	_ = 	snop  }
0x5: {  	_ = 	snop  }
0x6: {  	_ = 	snop  }
0x7: {  	_ = 	snop  }
__scs_overlays_trampoline_lowered:
0x8: {  	[smem:$0x3FAC] =	sst s0  }
0x9: {  	[smem:$0x3FAD] =	sst s1  }
0xa: {  	[smem:$0x3FAE] =	sst s2  }
0xb: {  	[smem:$0x3FAF] =	sst s3  }
0xc: {  	[smem:$0x3FB0] =	sst s4  }
0xd: {  	[smem:$0x3FB1] =	sst s5  }
0xe: {  	[smem:$0x3FB2] =	sst s6  }
0xf: {  	[smem:$0x3FB3] =	sst s7  }
0x10: {  	[smem:$0x3FB4] =	sst s8  }
0x11: {  	[smem:$0x3FB5] =	sst s9;
	s0 =	simm.s32 @!p0 $0x0  }
0x12: {  	s1 =	sld [smem:$0x3F9B];
	s0 =	simm.s32 @p0 $0x1  }
0x13: {  	[smem:$0x3FB6] =	sst s0;
	s0 =	simm.s32 @!p1 $0x0  }
0x14: {  	s2 =	sld [smem:$0x3F9A];
	s0 =	simm.s32 @p1 $0x1  }
0x15: {  	[smem:$0x3FB7] =	sst s0;
	s0 =	simm.s32 @!p2 $0x0  }
0x16: {  	s3 =	sld [smem:$0x3FDB];
	s0 =	simm.s32 @p2 $0x1  }
0x17: {  	s4 =	simm.s32 $0x1BF5;
	[smem:$0x3FB9] =	sst s0  }
0x18: {  	s0 =	sld [smem:$0x3F9C];
	_ =	swait.ge [sflag:s4], $0x0  }
0x19: {  	s7 =	sld [smem:$0x3F9D]  }
0x1a: {  	s8 =	sadd.s32 $0xFFFFE003, lr  }
0x1b: {  	s9 =	sadd.s32 $0xFFFFFEF7, lr;
	s5 =	simm.s32 $0xFFFFFFFF;
	p2 =	slt.u32 s8, $0xFFFFF086  }
0x1c: {  	p1 =	slt.u32 s9, $0xF7A;
	s5 =	simm.s32 @!p2 $0x0  }
0x1d: {  	s5 =	simm.s32 @p1 $0x1;
	p0 =	seq.s32 s7, s2  }
0x1e: {  	s7 =	smul.u32 @!p0 $0xF7A, s2;
	p2 =	seq.s32 @!p0 s5, $0x0  }
0x1f: {  	s9 =	smul.u32 $0xF7A, s1;
	s8 =	simm.s32 @!p0 $0x1BF5;
	p2 =	por !p2, p0  }
0x20: {  	[sflag:s8] =	ssyncset.s32 @!p0 $0xFFFFF086;
	s6 =	sadd.s32 @!p0 s3, s7;
	s7 =	simm.s32 @!p0 $0x108  }
0x21: {  	s3 =	sadd.s32 s3, s9;
	s6 =	sadd.s32 @!p0 $0x88, s6;
	s7 =	simm.s32 @p2 $0x1082  }
0x22: {  	[simem:s7], [sflag:s8] =	dma.local @!p0 [hbm:s6], $0xF7A  }
0x23: {  	s9 =	sor.u32 $0xD0000000, s2;
	s6 =	simm.s32 $0x108;
	_ =	swait.ge @!p0 [sflag:s8], $0x0  }
0x24: {  	s3 =	sadd.s32 $0x88, s3;
	s6 =	simm.s32 @!p1 $0x1082;
	[sflag:s4] =	ssyncset.s32 $0xFFFFF086  }
0x25: {  	[simem:s6], [sflag:s4] =	dma.local [hbm:s3], $0xF7A  }
0x26: {  	[smem:$0x3F9D] =	sst s1;
	(tag) =	ssettag s2;
	_ =	strace s9  }
0x27: {  	s1 =	sld [smem:$0x3FAD]  }
0x28: {  	s2 =	sld [smem:$0x3FAE]  }
0x29: {  	s4 =	sld [smem:$0x3FB0]  }
0x2a: {  	p0 =	seq.s32 s5, $0x0;
	s5 =	sld [smem:$0x3FB1]  }
0x2b: {  	s6 =	sld [smem:$0x3FB2]  }
0x2c: {  	s7 =	sld [smem:$0x3FB3]  }
0x2d: {  	s3 =	simm.s32 $0x108;
	s8 =	sld [smem:$0x3FB4]  }
0x2e: {  	s3 =	simm.s32 @!p0 $0x1082;
	s9 =	sld [smem:$0x3FB5]  }
0x2f: {  	lr =	sadd.s32 s0, s3;
	s0 =	sld [smem:$0x3FAC]  }
0x30: {  	s3 =	sld [smem:$0x3FAF]  }
0x31: {  	[smem:$0x3FB8] =	sst s10  }
0x32: {  	s10 =	sld [smem:$0x3FB6];
	_ =	sdelay $0x3  }
0x33: {  	p0 =	seq.s32 s10, $0x1;
	s10 =	sld [smem:$0x3FB8];
	_ =	sdelay $0x3  }
0x34: {  	[smem:$0x3FB8] =	sst s10  }
0x35: {  	s10 =	sld [smem:$0x3FB7];
	_ =	sdelay $0x3  }
0x36: {  	p1 =	seq.s32 s10, $0x1;
	s10 =	sld [smem:$0x3FB8];
	_ =	sdelay $0x3  }
0x37: {  	[smem:$0x3FB8] =	sst s10  }
0x38: {  	s10 =	sld [smem:$0x3FB9]  }
0x39: {  	_ = 	snop;
	(pc) =	sbr.ind lr, $3  }
0x3a: {  	_ = 	snop  }
0x3b: {  	_ = 	snop  }
0x3c: {  	p2 =	seq.s32 s10, $0x1;
	s10 =	sld [smem:$0x3FB8]  }
0x3d: {  	_ =	shalt  }
0x3e: {  	_ =	shalt  }
0x3f: {  	_ =	shalt  }
0x40: {  	_ =	shalt  }
0x41: {  	_ =	shalt  }
0x42: {  	_ =	shalt  }
0x43: {  	_ =	shalt  }
0x44: {  	_ =	shalt  }
0x45: {  	_ =	shalt  }
0x46: {  	_ =	shalt  }
0x47: {  	_ =	shalt  }
0x48: {  	_ =	shalt  }
0x49: {  	_ =	shalt  }
0x4a: {  	_ =	shalt  }
0x4b: {  	_ =	shalt  }
0x4c: {  	_ =	shalt  }
0x4d: {  	_ =	shalt  }
0x4e: {  	_ =	shalt  }
0x4f: {  	_ =	shalt  }
0x50: {  	_ =	shalt  }
0x51: {  	_ =	shalt  }
0x52: {  	_ =	shalt  }
0x53: {  	_ =	shalt  }
0x54: {  	_ =	shalt  }
0x55: {  	_ =	shalt  }
0x56: {  	_ =	shalt  }
0x57: {  	_ =	shalt  }
0x58: {  	_ =	shalt  }
0x59: {  	_ =	shalt  }
0x5a: {  	_ =	shalt  }
0x5b: {  	_ =	shalt  }
0x5c: {  	_ =	shalt  }
0x5d: {  	_ =	shalt  }
0x5e: {  	_ =	shalt  }
0x5f: {  	_ =	shalt  }
0x60: {  	_ =	shalt  }
0x61: {  	_ =	shalt  }
0x62: {  	_ =	shalt  }
0x63: {  	_ =	shalt  }
0x64: {  	_ =	shalt  }
0x65: {  	_ =	shalt  }
0x66: {  	_ =	shalt  }
0x67: {  	_ =	shalt  }
0x68: {  	_ =	shalt  }
0x69: {  	_ =	shalt  }
0x6a: {  	_ =	shalt  }
0x6b: {  	_ =	shalt  }
0x6c: {  	_ =	shalt  }
0x6d: {  	_ =	shalt  }
0x6e: {  	_ =	shalt  }
0x6f: {  	_ =	shalt  }
0x70: {  	_ =	shalt  }
0x71: {  	_ =	shalt  }
0x72: {  	_ =	shalt  }
0x73: {  	_ =	shalt  }
0x74: {  	_ =	shalt  }
0x75: {  	_ =	shalt  }
0x76: {  	_ =	shalt  }
0x77: {  	_ =	shalt  }
0x78: {  	_ =	shalt  }
0x79: {  	_ =	shalt  }
0x7a: {  	_ =	shalt  }
0x7b: {  	_ =	shalt  }
0x7c: {  	_ =	shalt  }
0x7d: {  	_ =	shalt  }
0x7e: {  	_ =	shalt  }
0x7f: {  	_ =	shalt  }
0x80: {  	_ =	shalt  }
0x81: {  	_ =	shalt  }
0x82: {  	_ =	shalt  }
0x83: {  	_ =	shalt  }
0x84: {  	_ =	shalt  }
0x85: {  	_ =	shalt  }
0x86: {  	_ =	shalt  }
0x87: {  	_ =	shalt  }
.Lfunc_end0:
.L_simem_size_0:
called_computation_lowered:
.L_overlay_start_0:
0x88: {  	s2 =	sld [smem:$0x3FD9]  }
0x89: {  	s3 =	sld [smem:$0x3FFE];
	_ =	sdelay $0x1  }
0x8a: {  	s1 =	srdreg.scid  }
0x8b: {  	s0 =	sand.u32 $0x1, s1  }
0x8c: {  	s14 =	sshll.u32 s0, $0xA;
	s2 =	sadd.s32 s3, s2  }
0x8d: {  	s2 =	sadd.s32 s2, s14  }
0x8e: {  	[smem:$0x3FC4] =	sst s2  }
0x8f: {  	_ = 	snop  }
0x90: {  	s2 =	sld [smem:$0x3FD0];
	_ =	sdelay $0x2  }
0x91: {  	s4 =	simm.s32 $0xA;
	s5 =	simm.s32 $0x10;
	s15 =	sld [smem:$0x3FC8]  }
0x92: {  	[smem:s5], [sflag:s4] =	dma.local [hbm:s2], $0x1  }
0x93: {  	_ =	swait.eq [sflag:s4], $0x1  }
0x94: {  	[sflag:s4] =	ssyncset.done $0x0  }
0x95: {  	s16 =	sld [smem:$0x10];
	[sflag:s4] =	ssyncadd.s32 $0xFFFFFFFF  }
0x96: {  	s17 =	sld [smem:$0x11];
	(tm) =	ssettm $0x1  }
0x97: {  	s18 =	sld [smem:$0x3FFB];
	_ =	sdelay $0x3  }
0x98: {  	_ =	strace s18  }
0x99: {  	s5 =	sld [smem:$0x3FFC];
	_ =	sdelay $0x3  }
0x9a: {  	_ =	strace s5  }
0x9b: {  	s5 =	sld [smem:$0x3FFD];
	_ =	sdelay $0x3  }
0x9c: {  	_ =	strace s5  }
0x9d: {  	_ =	strace $0x8FFFFFFF  }
0x9e: {  	s19 =	sld [smem:$0x3FDB];
	_ =	sdelay $0x1  }
0x9f: {  	s6 =	simm.s32 $_scs_section_size  }
0xa0: {  	s7 =	simm.s32 $_size__tile_overlayer_lowered;
	s8 =	simm.s32 $_tile_overlayer_lowered  }
0xa1: {  	s22 =	simm.s32 $0x1BFF;
	s21 =	sshll.u32 s8, $0x1;
	s5 =	sadd.s32 s6, s19  }
0xa2: {  	s9 =	simm.s32 $0x0;
	s20 =	sshll.u32 s7, $0x1;
	s7 =	sadd.s32 s21, s5  }
0xa3: {  	[timem:s9], [sflag:s22] =	dma.local [hbm:s7], s20  }
0xa4: {  	_ =	swait.ge [sflag:s22], s20  }
0xa5: {  	s6 =	ssub.s32 $0x0, s20;
	[sflag:s22] =	ssyncset.done $0x0  }
0xa6: {  	[sflag:s22] =	ssyncadd.s32 s6;
	_ =	sdelay $0x1  }
0xa7: {  	s23 =	simm.s32 $0x1B8B  }
0xa8: {  	_ =	swait.ge [sflag:s23], $0x1  }
0xa9: {  	[sflag:s23] =	ssyncset.done $0x0  }
0xaa: {  	s25 =	simm.s32 $0x1B8E;
	s24 =	sld [smem:$0x3FFE];
	[sflag:s23] =	ssyncadd.s32 $0xFFFFFFFF  }
0xab: {  	s26 =	simm.s32 $execute0_lowered;
	[smem:$0x3FD2] =	sst s25  }
0xac: {  	s7 =	sshll.u32 s26, $0x1;
	_ =	strace $0x80000046;
	[dreg:$0x1] =	wrdreg $0xFFFFFFFF  }
0xad: {  	s28 =	simm.s32 $_size_execute0_lowered;
	s5 =	sadd.s32 s5, s7;
	[dreg:$0x0] =	wrdreg $0x0  }
0xae: {  	s7 =	sshll.u32 s28, $0x1;
	[dreg:$0x2] =	wrdreg s5  }
0xaf: {  	[dreg:$0x3] =	wrdreg s7  }
0xb0: {  	[dreg:$0x4] =	wrdreg $0xC0  }
0xb1: {  	_ =	task [dreg:s9], $0x5FFFF  }
0xb2: {  	[dreg:$0x1] =	wrdreg $0xFFFFFFFF  }
0xb3: {  	[dreg:$0x0] =	wrdreg $0x60  }
0xb4: {  	[dreg:$0x2] =	wrdreg s24  }
0xb5: {  	[dreg:$0x3] =	wrdreg s15  }
0xb6: {  	[dreg:$0x4] =	wrdreg s16  }
0xb7: {  	[dreg:$0x5] =	wrdreg s17  }
0xb8: {  	[dreg:$0x6] =	wrdreg $0x4E800  }
0xb9: {  	[dreg:$0x7] =	wrdreg $0x9  }
0xba: {  	_ =	task.clear_ibuf [dreg:s9], $0x8FFFF;
	_ =	strace $0x90000046  }
0xbb: {  	s29 =	simm.s32 $0x9;
	_ =	strace $0x80000048  }
0xbc: {  	_ =	swait.ge [sflag:s29], $0x1  }
0xbd: {  	[sflag:s29] =	ssyncadd.s32 $0xFFFFFFFF  }
0xbe: {  	_ =	strace $0x90000048  }
0xbf: {  	_ =	sfence  }
0xc0: {  	s30 =	sld [smem:$0x0];
	_ =	sdelay $0x2  }
0xc1: {  	s31 =	sshll.u32 s1, $0xD;
	s1 =	sshrl.u32 s1, $0x2  }
0xc2: {  	s3 =	sand.u32 $0x4000, s31;
	s1 =	sadd.s32 s1, s30  }
0xc3: {  	s0 =	sor.u32 s3, s0;
	s1 =	sshll.u32 s1, $0x11  }
0xc4: {  	s0 =	sor.u32 s1, s0  }
0xc5: {  	s0 =	sadd.s32 $0x8F2B, s0  }
0xc6: {  	[sflag:s0] =	ssyncadd.remote.s32 $0x1  }
0xc7: {  	_ =	sfence.sel $0xFFFF  }
0xc8: {  	[dreg:$0x0] =	wrdreg $0xFFFFFFFF;
	(pc) =	sbr.abs _section_cstart, $3  }
0xc9: {  	[dreg:$0x1] =	wrdreg $0xFFFFFFFF  }
0xca: {  	_ =	task.clear_ibuf [dreg:s9], $0x2FFFF;
	_ =	strace $0x9FFFFFFF  }
0xcb: {  	(tm) =	ssettm $0x7FFFFFFF  }
tec
execute0_lowered:
.L_overlay_start_1:
0x0: {  	(tag) =	ssettag $0x1  }
0x1: {  	s3 =	rddreg [dreg:$0x0]  }
0x2: {  	s4 =	rddreg [dreg:$0x1]  }
0x3: {  	s7 =	rddreg [dreg:$0x2]  }
0x4: {  	s8 =	rddreg [dreg:$0x3]  }
0x5: {  	s0 =	srdreg.scid;
	s11 =	stileid.u32  }
0x6: {  	s1 =	rddreg [dreg:$0x4];
	s2 =	simm.s32 $0x0;
	s16 =	simm.s32 $0x0  }
0x7: {  	s5 =	sand.u32 $0x1, s0;
	s6 =	sshll.u32 s11, $0x1;
	s0 =	rddreg [dreg:$0x5]  }
0x8: {  	[smem:$0x7FF] =	sst s2;
	s12 =	smul.u32 $0x5000, s11;
	s3 =	sadd.s32 $0xE00, s3  }
0x9: {  	p1 =	sne.s32 s11, $0x0;
	s11 =	simm.s32 $0x5368;
	s6 =	sor.u32 s5, s6  }
0xa: {  	_ =	strace $0x80000047;
	s10 =	ssub.s32 $0x2, s5;
	s15 =	smul.u32 $0x2800, s5  }
0xb: {  	s9 =	smul.u32 $0x2800, s6;
	p0 =	seq.s32 s6, $0x1F;
	s13 =	sshrl.u32 s10, $0x1  }
0xc: {  	s6 =	smul.u32 $0x500, s6;
	s10 =	ssub.s32 s10, s13;
	s12 =	sadd.s32 s15, s12  }
.Ltmp0:
0xd: {  	s13 =	simm.s32 $0x2;
	s15 =	simm.s32 $0xA368;
	(pc) =	sbr.rel .LBB2_1-.Ltmp0, $4  }
0xe: {  	s9 =	simm.s32 @p0 $0x4BA00;
	s5 =	sadd.s32 s7, s6;
	s6 =	sadd.s32 s8, s6  }
0xf: {  	s7 =	sadd.s32 $0x9B00, s7;
	s8 =	sadd.s32 $0x9B00, s8;
	s14 =	sshrl.u32 s9, $0x2  }
0x10: {  	s12 =	ssub.s32 s12, s9;
	s9 =	smax.u32 s10, $0x1;
	s4 =	sadd.s32 s4, s14  }
0x11: {  	s10 =	sshll.u32 s12, $0x1;
	s12 =	sshrl.u32 @!p1 s1, $0x3;
	s14 =	simm.s32 $0x1  }
.LBB2_7:
0x12: {  	v13 =	vpop (erf)  }
0x13: {  	v8 =	vadd.f32 v11, v8;
	v14 =	vpop (erf)  }
0x14: {  	v2 =	vadd.f32 v2, v10;
	v38 =	vpop (erf)  }
0x15: {  	v8 =	vsub.f32 $0.0e+00, v8;
	v10 =	vadd.f32 $1.000000000e+00, v38;
	v39 =	vpop (erf)  }
0x16: {  	(erf) = vpow2.f32 v12;
	v0 =	vld.idx.msk [tilespmem:v0+s2+$0x0], $0xffff;
	v2 =	vsub.f32 $0.0e+00, v2;
	v11 =	vadd.f32 $1.000000000e+00, v39  }
0x17: {  	v8 =	vmul.f32 $1.442695020e+00, v8;
	(erf) = vrcp.f32 v10  }
0x18: {  	v9 =	vld.idx.msk [tilespmem:v9+s2+$0x0], $0xffff;
	v2 =	vmul.f32 $1.442695020e+00, v2;
	(erf) = vrcp.f32 v11  }
0x19: {  	v3 =	vld.idx.msk [tilespmem:v3+s2+$0x0], $0xffff;
	(erf) = vpow2.f32 v8  }
0x1a: {  	v6 =	vld.idx.msk [tilespmem:v6+s2+$0x0], $0xffff;
	(erf) = vpow2.f32 v2  }
0x1b: {  	v40 =	vld.idx.msk [tilespmem:v7+s2+$0x0], $0xffff;
	v0 =	vadd.f32 v1, v0  }
0x1c: {  	v5 =	vld.idx.msk [tilespmem:v5+s2+$0x0], $0xffff;
	v41 =	vpop (erf)  }
0x1d: {  	v4 =	vld.idx.msk [tilespmem:v4+s2+$0x0], $0xffff;
	v42 =	vpop (erf);
	v0 =	vsub.f32 $0.0e+00, v0  }
0x1e: {  	v3 =	vadd.f32 v9, v3;
	v43 =	vpop (erf)  }
0x1f: {  	v44 =	vpop (erf);
	v0 =	vmul.f32 $1.442695020e+00, v0  }
0x20: {  	v3 =	vsub.f32 $0.0e+00, v3;
	v9 =	vadd.f32 $1.000000000e+00, v44;
	v10 =	vpop (erf)  }
0x21: {  	v1 =	vadd.f32 $1.000000000e+00, v41;
	v5 =	vadd.f32 v6, v5;
	(erf) = vpow2.f32 v0;
	v45 =	vpop (erf)  }
0x22: {  	v2 =	vadd.f32 v40, v4;
	v3 =	vmul.f32 $1.442695020e+00, v3;
	(erf) = vrcp.f32 v9;
	v46 =	vpop (erf)  }
0x23: {  	v5 =	vsub.f32 $0.0e+00, v5;
	(erf) = vrcp.f32 v1;
	v47 =	vadd.f32 $1.000000000e+00, v46;
	v48 =	vpop (erf)  }
0x24: {  	v2 =	vsub.f32 $0.0e+00, v2;
	(erf) = vpow2.f32 v3;
	v49 =	vadd.f32 $1.000000000e+00, v48  }
0x25: {  	v50 =	vmul.f32 $1.442695020e+00, v5;
	(erf) = vrcp.f32 v47  }
0x26: {  	v2 =	vmul.f32 $1.442695020e+00, v2;
	(erf) = vrcp.f32 v49  }
0x27: {  	(erf) = vpow2.f32 v50  }
0x28: {  	(erf) = vpow2.f32 v2;
	_ =	sdelay $0x1  }
0x29: {  	v51 =	vpop (erf)  }
0x2a: {  	v52 =	vpop (erf)  }
0x2b: {  	v53 =	vpop (erf)  }
0x2c: {  	v54 =	vpop (erf)  }
0x2d: {  	v55 =	vpop (erf)  }
0x2e: {  	v4 =	vadd.f32 $1.000000000e+00, v54;
	v56 =	vpop (erf)  }
0x2f: {  	s17 =	sadd.s32 $0x40, s17;
	v1 =	vadd.f32 $1.000000000e+00, v51;
	v57 =	vpop (erf)  }
0x30: {  	[tilespmem:s17+$0x10] =	vst v13;
	(erf) = vrcp.f32 v4;
	v58 =	vpop (erf);
	v9 =	vadd.f32 $1.000000000e+00, v57  }
0x31: {  	[tilespmem:s18+$0xFFFFFFF0] =	vst v14;
	(erf) = vrcp.f32 v1;
	v59 =	vadd.f32 $1.000000000e+00, v58  }
0x32: {  	[tilespmem:s17+$0xFFFFFFE0] =	vst v42;
	(erf) = vrcp.f32 v9  }
0x33: {  	s30 =	sadd.s32 $0x40, s17;
	[tilespmem:s18+$0x0] =	vst v43;
	(erf) = vrcp.f32 v59  }
0x34: {  	[tilespmem:s30+$0x10] =	vst v10  }
0x35: {  	[tilespmem:s17+$0xFFFFFFF0] =	vst v45  }
0x36: {  	[tilespmem:s30+$0xFFFFFFE0] =	vst v52  }
0x37: {  	s31 =	sadd.s32 $0x40, s30;
	[tilespmem:s17+$0x0] =	vst v53  }
0x38: {  	[tilespmem:s31+$0x10] =	vst v55  }
0x39: {  	[tilespmem:s30+$0xFFFFFFF0] =	vst v56;
	v60 =	vpop (erf)  }
0x3a: {  	[tilespmem:s31+$0xFFFFFFE0] =	vst v60;
	v61 =	vpop (erf)  }
0x3b: {  	[tilespmem:s30+$0x0] =	vst v61;
	v62 =	vpop (erf)  }
0x3c: {  	[tilespmem:s31+$0xFFFFFFF0] =	vst v62;
	v63 =	vpop (erf)  }
0x3d: {  	[tilespmem:s31+$0x0] =	vst v63  }
0x3e: {  	[hbm4b:s7+s2] =	stream.linear.scatter [tilespmem:s15], [sflag:$0x1], $0xA00, $0x38;
	[tilespmem:$0xCB68] =	vst v63  }
0x3f: {  	_ = 	snop  }
0x40: {  	[hbm4b:s8+s2] =	stream.linear.scatter [tilespmem:s15], [sflag:$0x1], $0xA00, $0x38;
	[tilespmem:$0xCB68] =	vst v63  }
0x41: {  	_ =	swait.ge [sflag:s14], $0xA00  }
0x42: {  	[sflag:s14] =	ssyncset.done $0x0  }
0x43: {  	[sflag:s14] =	ssyncadd.s32 $0xFFFFF600  }
0x44: {  	_ =	swait.ge [sflag:s14], $0xA00  }
0x45: {  	[sflag:s14] =	ssyncset.done $0x0  }
0x46: {  	[sflag:s14] =	ssyncadd.s32 $0xFFFFF600  }
.LBB2_8:
0x47: {  	s16 =	sadd.s32 $0x1, s16  }
0x48: {  	p2 =	sne.s32 s16, s9  }
.Ltmp1:
0x49: {  	_ = 	snop;
	(pc) =	sbr.rel @!p2 .LBB2_9-.Ltmp1, $1  }
0x4a: {  	_ =	sdelay $0x3  }
.LBB2_1:
0x4b: {  	[tilespmem:s11], [sflag:$0x1] =	stream.linear.gather [hbm4b:s4+s2], $0x5000, $0x38;
	[tilespmem:$0xCB68] =	vst v63  }
0x4c: {  	s17 =	simm.s32 @!p1 $0x1C02  }
0x4d: {  	[spmem:s12], [sflag:s17] =	dma.local @!p1 [hbm:s3], $0x9D0  }
0x4e: {  	s17 =	simm.s32 @!p1 $0x2  }
0x4f: {  	_ =	swait.ge @!p1 [sflag:s17], $0x9D0  }
0x50: {  	[sflag:s17] =	ssyncset.done @!p1 $0x0  }
0x51: {  	[sflag:s17] =	ssyncadd.s32 @!p1 $0xFFFFF630  }
0x52: {  	[bflag:$0x0] =	sbarrier.arrive $0xFFFF  }
0x53: {  	[tilespmem:s2], [sflag:$0x2] =	stream.linear.gather [spmem:s1], $0x4E80, $0x38;
	[tilespmem:$0xCB68] =	vst v63  }
0x54: {  	_ =	swait.ge [sflag:s13], $0x4E80  }
.Ltmp2:
0x55: {  	s18 =	sand.u32 $0xFFFFFF00, s10;
	[sflag:s13] =	ssyncset.done $0x0;
	(pc) =	sbr.rel @!p0 .LBB2_2-.Ltmp2, $4  }
0x56: {  	s19 =	simm.s32 $0x30;
	s20 =	simm.s32 $0x0;
	[sflag:s13] =	ssyncadd.s32 $0xFFFFB180  }
0x57: {  	s21 =	simm.s32 $0x10;
	s18 =	sadd.s32 $0x5368, s18;
	_ =	swait.ge [sflag:s14], $0x5000  }
0x58: {  	s19 =	sand.u32 $0x70, s19;
	s20 =	sand.u32 $0x40, s20;
	[sflag:s14] =	ssyncset.done $0x0  }
0x59: {  	s19 =	sadd.s32 s19, s18;
	s17 =	simm.s32 $0xA388;
	[sflag:s14] =	ssyncadd.s32 $0xFFFFB000  }
0x5a: {  	v0 =	vld [tilespmem:s19+$0x80]  }
0x5b: {  	s20 =	sadd.s32 s20, s18;
	v1 =	vld [tilespmem:s19+$0x0]  }
0x5c: {  	s21 =	sand.u32 $0x50, s21;
	v2 =	vld [tilespmem:s20+$0x80]  }
0x5d: {  	s22 =	simm.s32 $0x20;
	s21 =	sadd.s32 s21, s18;
	v5 =	vld [tilespmem:s20+$0x0]  }
0x5e: {  	s25 =	sadd.s32 $0x80, s10;
	s23 =	sand.u32 $0x60, s22;
	v3 =	vld [tilespmem:s21+$0x80]  }
0x5f: {  	s28 =	simm.s32 $0x70;
	s26 =	sand.u32 $0xFFFFFF00, s25;
	s24 =	sadd.s32 s23, s18;
	v6 =	vld [tilespmem:s21+$0x0]  }
0x60: {  	s20 =	sand.u32 $0x70, s28;
	s19 =	sadd.s32 $0x5368, s26;
	v4 =	vld [tilespmem:s24+$0x80]  }
0x61: {  	s29 =	simm.s32 $0x40;
	v7 =	vld [tilespmem:s24+$0x0];
	s20 =	sadd.s32 s20, s19  }
0x62: {  	s21 =	sand.u32 $0x40, s29;
	v8 =	vld [tilespmem:s20+$0x80];
	v0 =	vadd.s32 $0x2710, v0  }
0x63: {  	s21 =	sadd.s32 s21, s19;
	v9 =	vld [tilespmem:s20+$0x0]  }
0x64: {  	v10 =	vld [tilespmem:s21+$0x80]  }
0x65: {  	s30 =	simm.s32 $0x50;
	v12 =	vld [tilespmem:s21+$0x0]  }
0x66: {  	s22 =	sand.u32 $0x50, s30;
	s23 =	simm.s32 $0x60;
	v1 =	vld.idx.msk [tilespmem:v1+s2+$0x0], $0xffff  }
0x67: {  	s31 =	sand.u32 $0x60, s23;
	s22 =	sadd.s32 s22, s19;
	v0 =	vld.idx.msk [tilespmem:v0+s2+$0x0], $0xffff  }
0x68: {  	s19 =	sadd.s32 s31, s19;
	v13 =	vld [tilespmem:s22+$0x0];
	v2 =	vadd.s32 $0x2710, v2  }
0x69: {  	v11 =	vld [tilespmem:s19+$0x80]  }
0x6a: {  	v14 =	vld [tilespmem:s19+$0x0]  }
0x6b: {  	v4 =	vadd.s32 $0x2710, v4;
	v5 =	vld.idx.msk [tilespmem:v5+s2+$0x0], $0xffff  }
0x6c: {  	v0 =	vadd.f32 v0, v1;
	v1 =	vld [tilespmem:s22+$0x80]  }
0x6d: {  	v8 =	vadd.s32 $0x2710, v8;
	v2 =	vld.idx.msk [tilespmem:v2+s2+$0x0], $0xffff  }
0x6e: {  	v3 =	vadd.s32 $0x2710, v3;
	v6 =	vld.idx.msk [tilespmem:v6+s2+$0x0], $0xffff  }
0x6f: {  	v10 =	vadd.s32 $0x2710, v10;
	v7 =	vld.idx.msk [tilespmem:v7+s2+$0x0], $0xffff;
	v0 =	vsub.f32 $0.0e+00, v0  }
0x70: {  	s18 =	sadd.s32 $0x80, s25;
	s23 =	simm.s32 $0x90;
	s24 =	simm.s32 $0xA0;
	v4 =	vld.idx.msk [tilespmem:v4+s2+$0x0], $0xffff  }
0x71: {  	s20 =	sand.u32 $0xFFFFFF00, s18;
	s21 =	simm.s32 $0xB0;
	s25 =	sand.u32 $0x60, s24;
	v9 =	vld.idx.msk [tilespmem:v9+s2+$0x0], $0xffff;
	v0 =	vmul.f32 $1.442695020e+00, v0;
	v1 =	vadd.s32 $0x2710, v1  }
0x72: {  	s19 =	sadd.s32 $0x5368, s20;
	s20 =	sand.u32 $0x70, s21;
	s22 =	simm.s32 $0x80;
	v2 =	vadd.f32 v2, v5;
	v5 =	vld.idx.msk [tilespmem:v8+s2+$0x0], $0xffff  }
0x73: {  	s20 =	sadd.s32 s20, s19;
	v3 =	vld.idx.msk [tilespmem:v3+s2+$0x0], $0xffff;
	s21 =	sand.u32 $0x40, s22;
	s22 =	sand.u32 $0x50, s23;
	(erf) = vpow2.f32 v0;
	v0 =	vadd.s32 $0x2710, v11  }
0x74: {  	v8 =	vld.idx.msk [tilespmem:v10+s2+$0x0], $0xffff;
	s21 =	sadd.s32 s21, s19;
	s22 =	sadd.s32 s22, s19;
	s19 =	sadd.s32 s25, s19  }
0x75: {  	v2 =	vsub.f32 $0.0e+00, v2;
	v4 =	vadd.f32 v4, v7;
	v7 =	vld [tilespmem:s19+$0x80]  }
0x76: {  	v10 =	vld.idx.msk [tilespmem:v1+s2+$0x0], $0xffff  }
0x77: {  	v1 =	vmul.f32 $1.442695020e+00, v2;
	v2 =	vadd.f32 v5, v9;
	v5 =	vld [tilespmem:s20+$0x0]  }
0x78: {  	v11 =	vld.idx.msk [tilespmem:v0+s2+$0x0], $0xffff  }
0x79: {  	v0 =	vld.idx.msk [tilespmem:v12+s2+$0x0], $0xffff;
	(erf) = vpow2.f32 v1  }
0x7a: {  	v1 =	vld [tilespmem:s20+$0x80]  }
0x7b: {  	v3 =	vadd.f32 v3, v6;
	v9 =	vld [tilespmem:s21+$0x80]  }
0x7c: {  	v12 =	vld [tilespmem:s22+$0x80];
	v2 =	vsub.f32 $0.0e+00, v2;
	v6 =	vpop (erf)  }
0x7d: {  	v15 =	vld [tilespmem:s21+$0x0];
	v3 =	vsub.f32 $0.0e+00, v3;
	v6 =	vadd.f32 $1.000000000e+00, v6  }
0x7e: {  	v4 =	vsub.f32 $0.0e+00, v4;
	v2 =	vmul.f32 $1.442695020e+00, v2;
	v8 =	vadd.f32 v8, v0;
	v0 =	vld [tilespmem:s19+$0x0]  }
0x7f: {  	v3 =	vmul.f32 $1.442695020e+00, v3;
	s19 =	sadd.s32 $0x80, s18;
	v1 =	vadd.s32 $0x2710, v1;
	(erf) = vrcp.f32 v6;
	v6 =	vld [tilespmem:s22+$0x0]  }
0x80: {  	s26 =	simm.s32 $0xF0;
	v4 =	vmul.f32 $1.442695020e+00, v4;
	s18 =	sand.u32 $0xFFFFFF00, s19;
	v5 =	vld.idx.msk [tilespmem:v5+s2+$0x0], $0xffff;
	(erf) = vpow2.f32 v2;
	v2 =	vadd.s32 $0x2710, v9  }
0x81: {  	s28 =	sand.u32 $0x70, s26;
	s18 =	sadd.s32 $0x5368, s18;
	v9 =	vadd.s32 $0x2710, v12;
	v12 =	vld.idx.msk [tilespmem:v13+s2+$0x0], $0xffff;
	(erf) = vpow2.f32 v3  }
0x82: {  	v8 =	vsub.f32 $0.0e+00, v8;
	s21 =	sadd.s32 s28, s18;
	v13 =	vpop (erf);
	(erf) = vpow2.f32 v4;
	v4 =	vld.idx.msk [tilespmem:v14+s2+$0x0], $0xffff  }
0x83: {  	v3 =	vadd.s32 $0x2710, v7;
	v14 =	vld [tilespmem:s21+$0x80];
	v7 =	vadd.f32 $1.000000000e+00, v13  }
0x84: {  	v13 =	vld.idx.msk [tilespmem:v1+s2+$0x0], $0xffff;
	v1 =	vmul.f32 $1.442695020e+00, v8  }
0x85: {  	(erf) = vrcp.f32 v7;
	v7 =	vld.idx.msk [tilespmem:v2+s2+$0x0], $0xffff  }
0x86: {  	v2 =	vld.idx.msk [tilespmem:v9+s2+$0x0], $0xffff;
	(erf) = vpow2.f32 v1  }
0x87: {  	v10 =	vadd.f32 v10, v12;
	v12 =	vld [tilespmem:s21+$0x0]  }
0x88: {  	s29 =	simm.s32 $0xD0;
	s24 =	simm.s32 $0xE0;
	s20 =	simm.s32 $0xC0;
	v9 =	vld.idx.msk [tilespmem:v15+s2+$0x0], $0xffff;
	v8 =	vpop (erf)  }
0x89: {  	s31 =	sand.u32 $0x60, s24;
	s30 =	sand.u32 $0x40, s20;
	s22 =	sand.u32 $0x50, s29;
	v1 =	vld.idx.msk [tilespmem:v3+s2+$0x0], $0xffff;
	v5 =	vadd.f32 v13, v5;
	v3 =	vpop (erf)  }
0x8a: {  	s23 =	sadd.s32 s30, s18;
	s22 =	sadd.s32 s22, s18;
	s18 =	sadd.s32 s31, s18;
	v4 =	vadd.f32 v11, v4;
	v3 =	vadd.f32 $1.000000000e+00, v3  }
0x8b: {  	v17 =	vld [tilespmem:s18+$0x80];
	v10 =	vsub.f32 $0.0e+00, v10;
	v13 =	vpop (erf);
	v5 =	vsub.f32 $0.0e+00, v5  }
0x8c: {  	v11 =	vld [tilespmem:s23+$0x80];
	v13 =	vadd.f32 $1.000000000e+00, v13;
	v16 =	vpop (erf);
	(erf) = vrcp.f32 v3  }
0x8d: {  	v15 =	vld [tilespmem:s22+$0x80];
	v4 =	vsub.f32 $0.0e+00, v4;
	v10 =	vmul.f32 $1.442695020e+00, v10;
	v5 =	vmul.f32 $1.442695020e+00, v5  }
0x8e: {  	v7 =	vadd.f32 v7, v9;
	v3 =	vld [tilespmem:s23+$0x0];
	v18 =	vpop (erf);
	(erf) = vrcp.f32 v13;
	v13 =	vadd.s32 $0x2710, v14  }
0x8f: {  	[tilespmem:s17+$0x10] =	vst v8;
	v8 =	vld.idx.msk [tilespmem:v12+s2+$0x0], $0xffff;
	v14 =	vmul.f32 $1.442695020e+00, v4;
	v9 =	vpop (erf);
	(erf) = vpow2.f32 v5  }
0x90: {  	v63 =	vsub.f32 $0.0e+00, v7;
	v5 =	vld [tilespmem:s22+$0x0];
	v19 =	vadd.f32 $1.000000000e+00, v9;
	(erf) = vpow2.f32 v10  }
0x91: {  	v4 =	vld [tilespmem:s18+$0x0];
	v9 =	vadd.s32 $0x2710, v11;
	(erf) = vpow2.f32 v14;
	v14 =	vadd.f32 $1.000000000e+00, v16  }
0x92: {  	v10 =	vld.idx.msk [tilespmem:v6+s2+$0x0], $0xffff;
	v6 =	vadd.s32 $0x2710, v15;
	(erf) = vrcp.f32 v19  }
0x93: {  	v7 =	vadd.s32 $0x2710, v17;
	v12 =	vmul.f32 $1.442695020e+00, v63;
	s18 =	simm.s32 $0xA388;
	[tilespmem:s17+$0xFFFFFFE0] =	vst v18;
	v11 =	vld.idx.msk [tilespmem:v13+s2+$0x0], $0xffff;
	(erf) = vrcp.f32 v14  }
.LBB2_6:
0x94: {  	s21 =	sadd.s32 $0x50, s20  }
0x95: {  	v13 =	vld.idx.msk [tilespmem:v0+s2+$0x0], $0xffff;
	(erf) = vpow2.f32 v12;
	v0 =	vpop (erf);
	s17 =	sadd.s32 $0x40, s17;
	v12 =	vmov v5;
	s22 =	smov.u32 s20;
	s20 =	sadd.s32 $0x40, s20  }
0x96: {  	s19 =	sadd.s32 $0x80, s19;
	s23 =	sand.u32 $0x40, s20;
	s24 =	sadd.s32 $0x60, s22;
	v5 =	vld.idx.msk [tilespmem:v9+s2+$0x0], $0xffff;
	[tilespmem:s17+$0x10] =	vst v0;
	v0 =	vmov v4  }
0x97: {  	s25 =	sand.u32 $0xFFFFFF00, s19;
	s21 =	sand.u32 $0x50, s21;
	s22 =	sadd.s32 $0x70, s22;
	v4 =	vld.idx.msk [tilespmem:v6+s2+$0x0], $0xffff;
	v6 =	vpop (erf)  }
0x98: {  	v2 =	vadd.f32 v2, v10;
	s25 =	sadd.s32 $0x5368, s25;
	s24 =	sand.u32 $0x60, s24;
	s22 =	sand.u32 $0x70, s22;
	v7 =	vld.idx.msk [tilespmem:v7+s2+$0x0], $0xffff;
	[tilespmem:s18+$0xFFFFFFF0] =	vst v6  }
0x99: {  	s23 =	sadd.s32 s23, s25;
	s21 =	sadd.s32 s21, s25;
	s22 =	sadd.s32 s22, s25;
	v6 =	vld.idx.msk [tilespmem:v3+s2+$0x0], $0xffff;
	v3 =	vpop (erf)  }
0x9a: {  	v8 =	vadd.f32 v11, v8;
	p2 =	slt.u32 s20, $0x9C0;
	s24 =	sadd.s32 s24, s25;
	v9 =	vld [tilespmem:s22+$0x80];
	v3 =	vadd.f32 $1.000000000e+00, v3;
	v10 =	vpop (erf)  }
0x9b: {  	v17 =	vsub.f32 $0.0e+00, v2;
	v1 =	vadd.f32 v1, v13;
	v11 =	vld [tilespmem:s22+$0x0];
	v13 =	vpop (erf)  }
0x9c: {  	v8 =	vsub.f32 $0.0e+00, v8;
	v14 =	vld [tilespmem:s23+$0x80];
	(erf) = vrcp.f32 v3;
	v3 =	vadd.f32 $1.000000000e+00, v10;
	v10 =	vpop (erf)  }
0x9d: {  	v16 =	vmul.f32 $1.442695020e+00, v17;
	v20 =	vsub.f32 $0.0e+00, v1;
	v13 =	vadd.f32 $1.000000000e+00, v13;
	v15 =	vld [tilespmem:s21+$0x80];
	[tilespmem:s17+$0xFFFFFFE0] =	vst v10;
	v2 =	vpop (erf)  }
0x9e: {  	v8 =	vmul.f32 $1.442695020e+00, v8;
	v17 =	vld [tilespmem:s24+$0x80];
	v10 =	vpop (erf);
	(erf) = vrcp.f32 v3;
	[tilespmem:s18+$0x0] =	vst v2;
	v2 =	vmov v4;
	s18 =	smov.u32 s17  }
0x9f: {  	v6 =	vadd.f32 v5, v6;
	v19 =	vmul.f32 $1.442695020e+00, v20;
	v1 =	vmovc v7;
	v3 =	vld [tilespmem:s23+$0x0];
	v18 =	vadd.s32 $0x2710, v9  }
.Ltmp3:
0xa0: {  	v20 =	vadd.f32 $1.000000000e+00, v10;
	v5 =	vld [tilespmem:s21+$0x0];
	(erf) = vpow2.f32 v8;
	(pc) =	sbr.rel @p2 .LBB2_6-.Ltmp3, $4  }
0xa1: {  	v9 =	vadd.s32 $0x2710, v14;
	v4 =	vld [tilespmem:s24+$0x0];
	v14 =	vsub.f32 $0.0e+00, v6;
	(erf) = vpow2.f32 v16  }
0xa2: {  	v6 =	vadd.s32 $0x2710, v15;
	v10 =	vld.idx.msk [tilespmem:v12+s2+$0x0], $0xffff;
	(erf) = vpow2.f32 v19  }
0xa3: {  	v7 =	vadd.s32 $0x2710, v17;
	v8 =	vld.idx.msk [tilespmem:v11+s2+$0x0], $0xffff;
	v12 =	vmul.f32 $1.442695020e+00, v14;
	(erf) = vrcp.f32 v20  }
0xa4: {  	v11 =	vld.idx.msk [tilespmem:v18+s2+$0x0], $0xffff;
	(erf) = vrcp.f32 v13  }
.Ltmp4:
0xa5: {  	_ = 	snop;
	(pc) =	sbr.rel .LBB2_7-.Ltmp4, $1  }
0xa6: {  	_ =	sdelay $0x3  }
.LBB2_2:
0xa7: {  	v0 =	vld [tilespmem:s19+$0x80]  }
0xa8: {  	s20 =	sadd.s32 s20, s18;
	v1 =	vld [tilespmem:s19+$0x0]  }
0xa9: {  	s21 =	sand.u32 $0x50, s21;
	v2 =	vld [tilespmem:s20+$0x80]  }
0xaa: {  	s22 =	simm.s32 $0x20;
	s21 =	sadd.s32 s21, s18;
	v5 =	vld [tilespmem:s20+$0x0]  }
0xab: {  	s25 =	sadd.s32 $0x80, s10;
	s23 =	sand.u32 $0x60, s22;
	v3 =	vld [tilespmem:s21+$0x80]  }
0xac: {  	s28 =	simm.s32 $0x70;
	s26 =	sand.u32 $0xFFFFFF00, s25;
	s24 =	sadd.s32 s23, s18;
	v6 =	vld [tilespmem:s21+$0x0]  }
0xad: {  	s20 =	sand.u32 $0x70, s28;
	s19 =	sadd.s32 $0x5368, s26;
	v4 =	vld [tilespmem:s24+$0x80]  }
0xae: {  	s29 =	simm.s32 $0x40;
	v7 =	vld [tilespmem:s24+$0x0];
	s20 =	sadd.s32 s20, s19  }
0xaf: {  	s21 =	sand.u32 $0x40, s29;
	v8 =	vld [tilespmem:s20+$0x80];
	v0 =	vadd.s32 $0x2710, v0  }
0xb0: {  	s21 =	sadd.s32 s21, s19;
	v9 =	vld [tilespmem:s20+$0x0]  }
0xb1: {  	v10 =	vld [tilespmem:s21+$0x80]  }
0xb2: {  	s30 =	simm.s32 $0x50;
	v12 =	vld [tilespmem:s21+$0x0]  }
0xb3: {  	s22 =	sand.u32 $0x50, s30;
	s23 =	simm.s32 $0x60;
	v1 =	vld.idx.msk [tilespmem:v1+s2+$0x0], $0xffff  }
0xb4: {  	s31 =	sand.u32 $0x60, s23;
	s22 =	sadd.s32 s22, s19;
	v0 =	vld.idx.msk [tilespmem:v0+s2+$0x0], $0xffff  }
0xb5: {  	s19 =	sadd.s32 s31, s19;
	v13 =	vld [tilespmem:s22+$0x0];
	v2 =	vadd.s32 $0x2710, v2  }
0xb6: {  	v11 =	vld [tilespmem:s19+$0x80]  }
0xb7: {  	v14 =	vld [tilespmem:s19+$0x0]  }
0xb8: {  	v4 =	vadd.s32 $0x2710, v4;
	v5 =	vld.idx.msk [tilespmem:v5+s2+$0x0], $0xffff  }
0xb9: {  	v0 =	vadd.f32 v0, v1;
	v1 =	vld [tilespmem:s22+$0x80]  }
0xba: {  	v8 =	vadd.s32 $0x2710, v8;
	v2 =	vld.idx.msk [tilespmem:v2+s2+$0x0], $0xffff  }
0xbb: {  	v3 =	vadd.s32 $0x2710, v3;
	v6 =	vld.idx.msk [tilespmem:v6+s2+$0x0], $0xffff  }
0xbc: {  	v10 =	vadd.s32 $0x2710, v10;
	v7 =	vld.idx.msk [tilespmem:v7+s2+$0x0], $0xffff;
	v0 =	vsub.f32 $0.0e+00, v0  }
0xbd: {  	s18 =	sadd.s32 $0x80, s25;
	s23 =	simm.s32 $0x90;
	s24 =	simm.s32 $0xA0;
	v4 =	vld.idx.msk [tilespmem:v4+s2+$0x0], $0xffff  }
0xbe: {  	s20 =	sand.u32 $0xFFFFFF00, s18;
	s21 =	simm.s32 $0xB0;
	s25 =	sand.u32 $0x60, s24;
	v9 =	vld.idx.msk [tilespmem:v9+s2+$0x0], $0xffff;
	v0 =	vmul.f32 $1.442695020e+00, v0;
	v1 =	vadd.s32 $0x2710, v1  }
0xbf: {  	s19 =	sadd.s32 $0x5368, s20;
	s20 =	sand.u32 $0x70, s21;
	s22 =	simm.s32 $0x80;
	v2 =	vadd.f32 v2, v5;
	v5 =	vld.idx.msk [tilespmem:v8+s2+$0x0], $0xffff  }
0xc0: {  	s20 =	sadd.s32 s20, s19;
	v3 =	vld.idx.msk [tilespmem:v3+s2+$0x0], $0xffff;
	s21 =	sand.u32 $0x40, s22;
	s22 =	sand.u32 $0x50, s23;
	(erf) = vpow2.f32 v0;
	v0 =	vadd.s32 $0x2710, v11  }
0xc1: {  	v8 =	vld.idx.msk [tilespmem:v10+s2+$0x0], $0xffff;
	s21 =	sadd.s32 s21, s19;
	s22 =	sadd.s32 s22, s19;
	s19 =	sadd.s32 s25, s19  }
0xc2: {  	v2 =	vsub.f32 $0.0e+00, v2;
	v4 =	vadd.f32 v4, v7;
	v7 =	vld [tilespmem:s19+$0x80]  }
0xc3: {  	v10 =	vld.idx.msk [tilespmem:v1+s2+$0x0], $0xffff  }
0xc4: {  	v1 =	vmul.f32 $1.442695020e+00, v2;
	v2 =	vadd.f32 v5, v9;
	v5 =	vld [tilespmem:s20+$0x0]  }
0xc5: {  	v11 =	vld.idx.msk [tilespmem:v0+s2+$0x0], $0xffff  }
0xc6: {  	v0 =	vld.idx.msk [tilespmem:v12+s2+$0x0], $0xffff;
	(erf) = vpow2.f32 v1  }
0xc7: {  	v1 =	vld [tilespmem:s20+$0x80]  }
0xc8: {  	v3 =	vadd.f32 v3, v6;
	v9 =	vld [tilespmem:s21+$0x80]  }
0xc9: {  	v12 =	vld [tilespmem:s22+$0x80];
	v2 =	vsub.f32 $0.0e+00, v2;
	v6 =	vpop (erf)  }
0xca: {  	v15 =	vld [tilespmem:s21+$0x0];
	v3 =	vsub.f32 $0.0e+00, v3;
	v6 =	vadd.f32 $1.000000000e+00, v6  }
0xcb: {  	v4 =	vsub.f32 $0.0e+00, v4;
	v2 =	vmul.f32 $1.442695020e+00, v2;
	v8 =	vadd.f32 v8, v0;
	v0 =	vld [tilespmem:s19+$0x0]  }
0xcc: {  	v3 =	vmul.f32 $1.442695020e+00, v3;
	s19 =	sadd.s32 $0x80, s18;
	v1 =	vadd.s32 $0x2710, v1;
	(erf) = vrcp.f32 v6;
	v6 =	vld [tilespmem:s22+$0x0]  }
0xcd: {  	s26 =	simm.s32 $0xF0;
	v4 =	vmul.f32 $1.442695020e+00, v4;
	s18 =	sand.u32 $0xFFFFFF00, s19;
	v5 =	vld.idx.msk [tilespmem:v5+s2+$0x0], $0xffff;
	(erf) = vpow2.f32 v2;
	v2 =	vadd.s32 $0x2710, v9  }
0xce: {  	s28 =	sand.u32 $0x70, s26;
	s18 =	sadd.s32 $0x5368, s18;
	v9 =	vadd.s32 $0x2710, v12;
	v12 =	vld.idx.msk [tilespmem:v13+s2+$0x0], $0xffff;
	(erf) = vpow2.f32 v3  }
0xcf: {  	v8 =	vsub.f32 $0.0e+00, v8;
	s21 =	sadd.s32 s28, s18;
	v13 =	vpop (erf);
	(erf) = vpow2.f32 v4;
	v4 =	vld.idx.msk [tilespmem:v14+s2+$0x0], $0xffff  }
0xd0: {  	v3 =	vadd.s32 $0x2710, v7;
	v14 =	vld [tilespmem:s21+$0x80];
	v7 =	vadd.f32 $1.000000000e+00, v13  }
0xd1: {  	v13 =	vld.idx.msk [tilespmem:v1+s2+$0x0], $0xffff;
	v1 =	vmul.f32 $1.442695020e+00, v8  }
0xd2: {  	(erf) = vrcp.f32 v7;
	v7 =	vld.idx.msk [tilespmem:v2+s2+$0x0], $0xffff  }
0xd3: {  	v2 =	vld.idx.msk [tilespmem:v9+s2+$0x0], $0xffff;
	(erf) = vpow2.f32 v1  }
0xd4: {  	v10 =	vadd.f32 v10, v12;
	v12 =	vld [tilespmem:s21+$0x0]  }
0xd5: {  	s29 =	simm.s32 $0xD0;
	s24 =	simm.s32 $0xE0;
	s20 =	simm.s32 $0xC0;
	v9 =	vld.idx.msk [tilespmem:v15+s2+$0x0], $0xffff;
	v8 =	vpop (erf)  }
0xd6: {  	s31 =	sand.u32 $0x60, s24;
	s30 =	sand.u32 $0x40, s20;
	s22 =	sand.u32 $0x50, s29;
	v1 =	vld.idx.msk [tilespmem:v3+s2+$0x0], $0xffff;
	v5 =	vadd.f32 v13, v5;
	v3 =	vpop (erf)  }
0xd7: {  	s23 =	sadd.s32 s30, s18;
	s22 =	sadd.s32 s22, s18;
	s18 =	sadd.s32 s31, s18;
	v4 =	vadd.f32 v11, v4;
	v3 =	vadd.f32 $1.000000000e+00, v3  }
0xd8: {  	v17 =	vld [tilespmem:s18+$0x80];
	v10 =	vsub.f32 $0.0e+00, v10;
	v13 =	vpop (erf);
	v5 =	vsub.f32 $0.0e+00, v5  }
0xd9: {  	v11 =	vld [tilespmem:s23+$0x80];
	v13 =	vadd.f32 $1.000000000e+00, v13;
	v16 =	vpop (erf);
	(erf) = vrcp.f32 v3  }
0xda: {  	v15 =	vld [tilespmem:s22+$0x80];
	v4 =	vsub.f32 $0.0e+00, v4;
	v10 =	vmul.f32 $1.442695020e+00, v10;
	v5 =	vmul.f32 $1.442695020e+00, v5  }
0xdb: {  	v7 =	vadd.f32 v7, v9;
	v3 =	vld [tilespmem:s23+$0x0];
	v18 =	vpop (erf);
	(erf) = vrcp.f32 v13;
	v13 =	vadd.s32 $0x2710, v14  }
0xdc: {  	[tilespmem:s17+$0x10] =	vst v8;
	v8 =	vld.idx.msk [tilespmem:v12+s2+$0x0], $0xffff;
	v14 =	vmul.f32 $1.442695020e+00, v4;
	v9 =	vpop (erf);
	(erf) = vpow2.f32 v5  }
0xdd: {  	v63 =	vsub.f32 $0.0e+00, v7;
	v5 =	vld [tilespmem:s22+$0x0];
	v19 =	vadd.f32 $1.000000000e+00, v9;
	(erf) = vpow2.f32 v10  }
0xde: {  	v4 =	vld [tilespmem:s18+$0x0];
	v9 =	vadd.s32 $0x2710, v11;
	(erf) = vpow2.f32 v14;
	v14 =	vadd.f32 $1.000000000e+00, v16  }
0xdf: {  	v10 =	vld.idx.msk [tilespmem:v6+s2+$0x0], $0xffff;
	v6 =	vadd.s32 $0x2710, v15;
	(erf) = vrcp.f32 v19  }
0xe0: {  	v7 =	vadd.s32 $0x2710, v17;
	v12 =	vmul.f32 $1.442695020e+00, v63;
	s18 =	simm.s32 $0xA388;
	[tilespmem:s17+$0xFFFFFFE0] =	vst v18;
	v11 =	vld.idx.msk [tilespmem:v13+s2+$0x0], $0xffff;
	(erf) = vrcp.f32 v14  }
.LBB2_3:
0xe1: {  	s21 =	sadd.s32 $0x50, s20  }
0xe2: {  	v13 =	vld.idx.msk [tilespmem:v0+s2+$0x0], $0xffff;
	(erf) = vpow2.f32 v12;
	v0 =	vpop (erf);
	s17 =	sadd.s32 $0x40, s17;
	v12 =	vmov v5;
	s22 =	smov.u32 s20;
	s20 =	sadd.s32 $0x40, s20  }
0xe3: {  	s19 =	sadd.s32 $0x80, s19;
	s23 =	sand.u32 $0x40, s20;
	s24 =	sadd.s32 $0x60, s22;
	v5 =	vld.idx.msk [tilespmem:v9+s2+$0x0], $0xffff;
	[tilespmem:s17+$0x10] =	vst v0;
	v0 =	vmov v4  }
0xe4: {  	s25 =	sand.u32 $0xFFFFFF00, s19;
	s21 =	sand.u32 $0x50, s21;
	s22 =	sadd.s32 $0x70, s22;
	v4 =	vld.idx.msk [tilespmem:v6+s2+$0x0], $0xffff;
	v6 =	vpop (erf)  }
0xe5: {  	s25 =	sadd.s32 $0x5368, s25;
	s24 =	sand.u32 $0x60, s24;
	s22 =	sand.u32 $0x70, s22;
	v2 =	vadd.f32 v2, v10;
	v7 =	vld.idx.msk [tilespmem:v7+s2+$0x0], $0xffff;
	[tilespmem:s18+$0xFFFFFFF0] =	vst v6  }
0xe6: {  	s23 =	sadd.s32 s23, s25;
	s21 =	sadd.s32 s21, s25;
	s22 =	sadd.s32 s22, s25;
	v6 =	vld.idx.msk [tilespmem:v3+s2+$0x0], $0xffff;
	v3 =	vpop (erf)  }
0xe7: {  	p2 =	slt.u32 s20, $0x27C0;
	s24 =	sadd.s32 s24, s25;
	v8 =	vadd.f32 v11, v8;
	v9 =	vld [tilespmem:s22+$0x80];
	v3 =	vadd.f32 $1.000000000e+00, v3;
	v10 =	vpop (erf)  }
0xe8: {  	v17 =	vsub.f32 $0.0e+00, v2;
	v1 =	vadd.f32 v1, v13;
	v11 =	vld [tilespmem:s22+$0x0];
	v13 =	vpop (erf)  }
0xe9: {  	v8 =	vsub.f32 $0.0e+00, v8;
	v14 =	vld [tilespmem:s23+$0x80];
	(erf) = vrcp.f32 v3;
	v3 =	vadd.f32 $1.000000000e+00, v10;
	v10 =	vpop (erf)  }
0xea: {  	v16 =	vmul.f32 $1.442695020e+00, v17;
	v20 =	vsub.f32 $0.0e+00, v1;
	v13 =	vadd.f32 $1.000000000e+00, v13;
	v15 =	vld [tilespmem:s21+$0x80];
	[tilespmem:s17+$0xFFFFFFE0] =	vst v10;
	v2 =	vpop (erf)  }
0xeb: {  	v8 =	vmul.f32 $1.442695020e+00, v8;
	v17 =	vld [tilespmem:s24+$0x80];
	v10 =	vpop (erf);
	(erf) = vrcp.f32 v3;
	[tilespmem:s18+$0x0] =	vst v2;
	v2 =	vmov v4;
	s18 =	smov.u32 s17  }
0xec: {  	v6 =	vadd.f32 v5, v6;
	v19 =	vmul.f32 $1.442695020e+00, v20;
	v1 =	vmovc v7;
	v3 =	vld [tilespmem:s23+$0x0];
	v18 =	vadd.s32 $0x2710, v9  }
.Ltmp5:
0xed: {  	v20 =	vadd.f32 $1.000000000e+00, v10;
	v5 =	vld [tilespmem:s21+$0x0];
	(erf) = vpow2.f32 v8;
	(pc) =	sbr.rel @p2 .LBB2_3-.Ltmp5, $4  }
0xee: {  	v9 =	vadd.s32 $0x2710, v14;
	v4 =	vld [tilespmem:s24+$0x0];
	v14 =	vsub.f32 $0.0e+00, v6;
	(erf) = vpow2.f32 v16  }
0xef: {  	v6 =	vadd.s32 $0x2710, v15;
	v10 =	vld.idx.msk [tilespmem:v12+s2+$0x0], $0xffff;
	(erf) = vpow2.f32 v19  }
0xf0: {  	v7 =	vadd.s32 $0x2710, v17;
	v8 =	vld.idx.msk [tilespmem:v11+s2+$0x0], $0xffff;
	v12 =	vmul.f32 $1.442695020e+00, v14;
	(erf) = vrcp.f32 v20  }
0xf1: {  	v11 =	vld.idx.msk [tilespmem:v18+s2+$0x0], $0xffff;
	(erf) = vrcp.f32 v13  }
0xf2: {  	_ =	sdelay $0x2  }
0xf3: {  	v13 =	vpop (erf)  }
0xf4: {  	v14 =	vpop (erf);
	v8 =	vadd.f32 v11, v8  }
0xf5: {  	v2 =	vadd.f32 v2, v10;
	v38 =	vpop (erf)  }
0xf6: {  	v10 =	vadd.f32 $1.000000000e+00, v38;
	v39 =	vpop (erf);
	v8 =	vsub.f32 $0.0e+00, v8  }
0xf7: {  	(erf) = vpow2.f32 v12;
	v0 =	vld.idx.msk [tilespmem:v0+s2+$0x0], $0xffff;
	v2 =	vsub.f32 $0.0e+00, v2;
	v11 =	vadd.f32 $1.000000000e+00, v39  }
0xf8: {  	(erf) = vrcp.f32 v10;
	v8 =	vmul.f32 $1.442695020e+00, v8  }
0xf9: {  	v9 =	vld.idx.msk [tilespmem:v9+s2+$0x0], $0xffff;
	v2 =	vmul.f32 $1.442695020e+00, v2;
	(erf) = vrcp.f32 v11  }
0xfa: {  	v3 =	vld.idx.msk [tilespmem:v3+s2+$0x0], $0xffff;
	(erf) = vpow2.f32 v8  }
0xfb: {  	v6 =	vld.idx.msk [tilespmem:v6+s2+$0x0], $0xffff;
	(erf) = vpow2.f32 v2  }
0xfc: {  	v40 =	vld.idx.msk [tilespmem:v7+s2+$0x0], $0xffff;
	v0 =	vadd.f32 v1, v0  }
0xfd: {  	v5 =	vld.idx.msk [tilespmem:v5+s2+$0x0], $0xffff;
	v41 =	vpop (erf)  }
0xfe: {  	v4 =	vld.idx.msk [tilespmem:v4+s2+$0x0], $0xffff;
	v42 =	vpop (erf);
	v0 =	vsub.f32 $0.0e+00, v0  }
0xff: {  	v3 =	vadd.f32 v9, v3;
	v43 =	vpop (erf)  }
0x100: {  	v44 =	vpop (erf);
	v0 =	vmul.f32 $1.442695020e+00, v0  }
0x101: {  	v3 =	vsub.f32 $0.0e+00, v3;
	v9 =	vadd.f32 $1.000000000e+00, v44;
	v10 =	vpop (erf)  }
0x102: {  	v5 =	vadd.f32 v6, v5;
	v1 =	vadd.f32 $1.000000000e+00, v41;
	(erf) = vpow2.f32 v0;
	v45 =	vpop (erf)  }
0x103: {  	v3 =	vmul.f32 $1.442695020e+00, v3;
	v2 =	vadd.f32 v40, v4;
	(erf) = vrcp.f32 v9;
	v46 =	vpop (erf)  }
0x104: {  	v5 =	vsub.f32 $0.0e+00, v5;
	(erf) = vrcp.f32 v1;
	v47 =	vadd.f32 $1.000000000e+00, v46;
	v48 =	vpop (erf)  }
0x105: {  	v2 =	vsub.f32 $0.0e+00, v2;
	(erf) = vpow2.f32 v3;
	v49 =	vadd.f32 $1.000000000e+00, v48  }
0x106: {  	v50 =	vmul.f32 $1.442695020e+00, v5;
	(erf) = vrcp.f32 v47  }
0x107: {  	v2 =	vmul.f32 $1.442695020e+00, v2;
	(erf) = vrcp.f32 v49  }
0x108: {  	(erf) = vpow2.f32 v50  }
0x109: {  	(erf) = vpow2.f32 v2;
	_ =	sdelay $0x1  }
0x10a: {  	v51 =	vpop (erf)  }
0x10b: {  	v52 =	vpop (erf)  }
0x10c: {  	v53 =	vpop (erf)  }
0x10d: {  	v54 =	vpop (erf)  }
0x10e: {  	v55 =	vpop (erf)  }
0x10f: {  	v4 =	vadd.f32 $1.000000000e+00, v54;
	v56 =	vpop (erf)  }
0x110: {  	s17 =	sadd.s32 $0x40, s17;
	v1 =	vadd.f32 $1.000000000e+00, v51;
	v57 =	vpop (erf)  }
0x111: {  	[tilespmem:s17+$0x10] =	vst v13;
	(erf) = vrcp.f32 v4;
	v58 =	vpop (erf);
	v9 =	vadd.f32 $1.000000000e+00, v57  }
0x112: {  	[tilespmem:s18+$0xFFFFFFF0] =	vst v14;
	(erf) = vrcp.f32 v1;
	v59 =	vadd.f32 $1.000000000e+00, v58  }
0x113: {  	[tilespmem:s17+$0xFFFFFFE0] =	vst v42;
	(erf) = vrcp.f32 v9  }
0x114: {  	s30 =	sadd.s32 $0x40, s17;
	[tilespmem:s18+$0x0] =	vst v43;
	(erf) = vrcp.f32 v59  }
0x115: {  	[tilespmem:s30+$0x10] =	vst v10  }
0x116: {  	[tilespmem:s17+$0xFFFFFFF0] =	vst v45  }
0x117: {  	[tilespmem:s30+$0xFFFFFFE0] =	vst v52  }
0x118: {  	s31 =	sadd.s32 $0x40, s30;
	[tilespmem:s17+$0x0] =	vst v53  }
0x119: {  	[tilespmem:s31+$0x10] =	vst v55  }
0x11a: {  	[tilespmem:s30+$0xFFFFFFF0] =	vst v56;
	v60 =	vpop (erf)  }
0x11b: {  	[tilespmem:s31+$0xFFFFFFE0] =	vst v60;
	v61 =	vpop (erf)  }
0x11c: {  	[tilespmem:s30+$0x0] =	vst v61;
	v62 =	vpop (erf)  }
0x11d: {  	[tilespmem:s31+$0xFFFFFFF0] =	vst v62;
	v63 =	vpop (erf)  }
0x11e: {  	[tilespmem:s31+$0x0] =	vst v63  }
0x11f: {  	[hbm4b:s5+s2] =	stream.linear.scatter [tilespmem:s15], [sflag:$0x1], $0x2800, $0x38;
	[tilespmem:$0xCB68] =	vst v63  }
0x120: {  	_ = 	snop  }
0x121: {  	[hbm4b:s6+s2] =	stream.linear.scatter [tilespmem:s15], [sflag:$0x1], $0x2800, $0x38;
	[tilespmem:$0xCB68] =	vst v63  }
0x122: {  	_ =	swait.ge [sflag:s14], $0x2800  }
.Ltmp6:
0x123: {  	[sflag:s14] =	ssyncset.done $0x0;
	(pc) =	sbr.rel .LBB2_8-.Ltmp6, $4  }
0x124: {  	[sflag:s14] =	ssyncadd.s32 $0xFFFFD800  }
0x125: {  	_ =	swait.ge [sflag:s14], $0x2800  }
0x126: {  	[sflag:s14] =	ssyncset.done $0x0  }
0x127: {  	[sflag:s14] =	ssyncadd.s32 $0xFFFFD800  }
.LBB2_9:
0x128: {  	_ =	sfence.sel $0x180000  }
0x129: {  	[bflag:$0x0] =	sbarrier.arrive $0xFFFF  }
0x12a: {  	_ =	strace $0x90000047  }
0x12b: {  	s0 =	sadd.s32 @!p1 $0x100000, s0;
	[bflag:$0x2] =	sbarrier.arrive $0xFFFF  }
0x12c: {  	[sflag:s0] =	ssyncadd.tile.s32 @!p1 $0x1;
	_ =	shalt  }
.Lfunc_end2:
_tile_overlayer_lowered:
.L_overlay_start_2:
0x12d: {  	(tag) =	ssettag $0x2  }
0x12e: {  	s0 =	rddreg [dreg:$0x0];
	s2 =	stileid.u32  }
0x12f: {  	s1 =	rddreg [dreg:$0x1];
	p0 =	sne.s32 s2, $0x0  }
0x130: {  	s3 =	rddreg [dreg:$0x2];
	[bflag:$0x3] =	sbarrier.arrive $0xFFFF;
	s2 =	simm.s32 @!p0 $0x1C02  }
0x131: {  	[timem:s3], [sflag:s2] =	dma.local @!p0 [hbm:s0], s1  }
0x132: {  	s0 =	simm.s32 @!p0 $0x2  }
0x133: {  	_ =	swait.ge @!p0 [sflag:s0], s1  }
0x134: {  	s1 =	ssub.s32 @!p0 $0x0, s1;
	[sflag:s0] =	ssyncset.done @!p0 $0x0  }
0x135: {  	[sflag:s0] =	ssyncadd.s32 @!p0 s1  }
0x136: {  	[bflag:$0x3] =	sbarrier.arrive $0xFFFF  }
0x137: {  	_ =	shalt  }

</sc_bundles>
